<compile_context>
chip_gen: v7x
topology: tpu7x:2x2x1
jax: 0.10.2.dev20260603
libtpu: 0.0.44.dev20260713+nightly
codegen_flags: <defaults>
</compile_context>

<pallas_src>
import functools

import jax
import jax.numpy as jnp
from jax import lax
from jax.experimental import pallas as pl
from jax.experimental.pallas import tpu as pltpu
from jax.experimental.pallas import tpu_sc as plsc

VOCAB = 1000000
D = 128
ODIM = 5
B = 4096
H = 200
LANES = 16
DCH = D // LANES

CH0, CH1 = 128, 72
NBUF = 3


def _sc_info():
    try:
        info = plsc.get_sparse_core_info()
        return info.num_cores, info.num_subcores
    except Exception:
        return 2, 16


def _make_pooled_kernel():
    nc, ns = _sc_info()
    nw = nc * ns
    b_per_w = B // nw
    mesh = plsc.VectorSubcoreMesh(
        core_axis_name="c", subcore_axis_name="s",
        num_cores=nc, num_subcores=ns)

    @functools.partial(
        pl.kernel,
        out_type=jax.ShapeDtypeStruct((B, D), jnp.float32),
        mesh=mesh,
        scratch_types=[
            pltpu.VMEM((b_per_w * H,), jnp.int32),
            pltpu.VMEM((NBUF, H, D), jnp.float32),
            pltpu.VMEM((b_per_w, D), jnp.float32),
            pltpu.SemaphoreType.DMA,
            pltpu.SemaphoreType.DMA,
            pltpu.SemaphoreType.DMA,
            pltpu.SemaphoreType.DMA,
            pltpu.SemaphoreType.DMA,
            pltpu.SemaphoreType.DMA,
        ],
    )
    def pooled_kernel(idx_hbm, table_hbm, out_hbm, idx_v, rows_v, stage_v,
                      sem0a, sem0b, sem1a, sem1b, sem2a, sem2b):
        cid = lax.axis_index("c")
        sid = lax.axis_index("s")
        wid = sid * nc + cid
        base = wid * b_per_w

        pltpu.sync_copy(idx_hbm.at[pl.ds(base * H, b_per_w * H)], idx_v)

        sems = ((sem0a, sem0b), (sem1a, sem1b), (sem2a, sem2b))

        def gather_copies(b, buf):
            off = b * H
            c0 = pltpu.make_async_copy(
                table_hbm.at[idx_v.at[pl.ds(off, CH0)]],
                rows_v.at[buf, pl.ds(0, CH0)],
                sems[buf][0],
            )
            c1 = pltpu.make_async_copy(
                table_hbm.at[idx_v.at[pl.ds(off + CH0, CH1)]],
                rows_v.at[buf, pl.ds(CH0, CH1)],
                sems[buf][1],
            )
            return c0, c1

        def issue(b, buf):
            c0, c1 = gather_copies(b, buf)
            c0.start()
            c1.start()

        for b0 in range(NBUF):
            issue(b0, b0)

        def acc_range(buf, lo, hi, accs):
            def acc_body(l, accs):
                return tuple(
                    accs[j] + rows_v[buf, l, pl.ds(LANES * j, LANES)]
                    for j in range(DCH)
                )
            return lax.fori_loop(lo, hi, acc_body, accs)

        def process(b, buf):
            c0, c1 = gather_copies(b, buf)
            if isinstance(b, int):
                nb = min(b + NBUF, b_per_w - 1)
            else:
                nb = jnp.minimum(b + NBUF, b_per_w - 1)
            n0, n1 = gather_copies(nb, buf)
            accs = tuple(
                jnp.zeros((LANES,), jnp.float32) for _ in range(DCH))
            c0.wait()
            accs = acc_range(buf, 0, CH0, accs)

            @pl.when(b + NBUF < b_per_w)
            def _():
                n0.start()
            c1.wait()
            accs = acc_range(buf, CH0, H, accs)

            @pl.when(b + NBUF < b_per_w)
            def _():
                n1.start()
            for j in range(DCH):
                stage_v[b, pl.ds(LANES * j, LANES)] = accs[j]

        def outer(i, carry):
            for buf in range(NBUF):
                b = i * NBUF + buf
                process(b, buf)
            return carry

        n_full = b_per_w // NBUF
        lax.fori_loop(0, n_full, outer, 0)
        for b in range(n_full * NBUF, b_per_w):
            buf = b % NBUF
            process(b, buf)

        pltpu.sync_copy(stage_v, out_hbm.at[pl.ds(base, b_per_w)])

    return pooled_kernel


def _mm_body(p_ref, wt_ref, b_ref, o_ref):
    o_ref[...] = (
        jnp.dot(p_ref[...], wt_ref[...], preferred_element_type=jnp.float32)
        + jnp.float32(H) * b_ref[...]
    )


def kernel(inputs, embed_weight, linear_w, linear_b):
    idx_flat = jnp.reshape(inputs, (B * H,)).astype(jnp.int32)
    pooled = _make_pooled_kernel()(idx_flat, embed_weight)
    out = pl.pallas_call(
        _mm_body,
        out_shape=jax.ShapeDtypeStruct((B, ODIM), jnp.float32),
    )(pooled, linear_w.T, jnp.reshape(linear_b, (1, ODIM)))
    return out

# --- scband reference (transcript-rebuilt; emitter-appended) ---
"""Pipeline reference for scband-cbow-62380105007199 (READ-ONLY COPY).

The authoritative reference and input builder live on the scoring server;
editing this copy changes nothing except your own understanding.
"""

import jax, jax.numpy as jnp
import numpy as np

VOCAB = 1000000
EMBED_DIM = 128
OUTPUT_DIM = 5
BATCH = 4096
HIST = 200

def setup_inputs(seed: int = 0) -> dict:
    key = jax.random.key(seed)
    k1, k2, k3, k4 = jax.random.split(key, 4)
    inputs = jax.random.randint(k1, (BATCH, HIST), 0, VOCAB, dtype=jnp.int64 if jax.config.jax_enable_x64 else jnp.int32)
    embed_weight = jax.random.normal(k2, (VOCAB, EMBED_DIM), dtype=jnp.float32) * 0.02
    linear_w = jax.random.normal(k3, (OUTPUT_DIM, EMBED_DIM), dtype=jnp.float32) * (1.0 / np.sqrt(EMBED_DIM))
    linear_b = jax.random.normal(k4, (OUTPUT_DIM,), dtype=jnp.float32) * 0.01
    return {"inputs": inputs, "embed_weight": embed_weight, "linear_w": linear_w, "linear_b": linear_b}

def reference(inputs, embed_weight, linear_w, linear_b):
    # embeds = self.embed(inputs)  -> [B, L, D]
    embeds = jnp.take(embed_weight, inputs, axis=0)
    # out = self.linear1(embeds)   -> [B, L, output_dim]
    out = jnp.einsum('bld,od->blo', embeds, linear_w) + linear_b
    # out = out.sum(1)             -> [B, output_dim]
    out = out.sum(axis=1)
    return out

if __name__ == "__main__":
    import jax
    _d = setup_inputs()
    print(jax.jit(kernel)(*tuple(_d.values())))

</pallas_src>

<mosaic_0001>
#map = affine_map<(d0, d1) -> (0)>
#map1 = affine_map<(d0, d1) -> (0, 0)>
module attributes {stable_mosaic.version = 14 : i64} {
  func.func @pooled_kernel(%arg0: i32, %arg1: i32, %arg2: memref<819200xi32, #tpu.memory_space<hbm>>, %arg3: memref<1000000x128xf32, #tpu.memory_space<hbm>>, %arg4: memref<4096x128xf32, #tpu.memory_space<hbm>>, %arg5: memref<25600xi32, #tpu.memory_space<vmem>>, %arg6: memref<3x200x128xf32, #tpu.memory_space<vmem>>, %arg7: memref<128x128xf32, #tpu.memory_space<vmem>>, %arg8: memref<!tpu.dma_semaphore, #tpu.memory_space<semaphore_mem>>, %arg9: memref<!tpu.dma_semaphore, #tpu.memory_space<semaphore_mem>>, %arg10: memref<!tpu.dma_semaphore, #tpu.memory_space<semaphore_mem>>, %arg11: memref<!tpu.dma_semaphore, #tpu.memory_space<semaphore_mem>>, %arg12: memref<!tpu.dma_semaphore, #tpu.memory_space<semaphore_mem>>, %arg13: memref<!tpu.dma_semaphore, #tpu.memory_space<semaphore_mem>>) attributes {dimension_semantics = [#tpu.dimension_semantics<core_parallel>, #tpu.dimension_semantics<subcore_parallel>], iteration_bounds = array<i64: 2, 16>, scalar_prefetch = 0 : i64, scratch_operands = 9 : i64, tpu.core_type = #tpu.core_type<sc_vector_subcore>, window_params = [{transform_indices = #map}, {transform_indices = #map1}, {transform_indices = #map1}]} {
    %mul3A = arith.constant 2 : i32
    %mul3A_0 = arith.muli %arg1, %mul3A : i32
    %add3A = arith.addi %mul3A_0, %arg0 : i32
    %mul3A_1 = arith.constant 128 : i32
    %mul3A_2 = arith.muli %add3A, %mul3A_1 : i32
    %mul3A_3 = arith.constant 200 : i32
    %mul3A_4 = arith.muli %mul3A_2, %mul3A_3 : i32
    "tpu.region"() ({
      %run_scoped3A = tpu.sem_alloc : memref<!tpu.dma_semaphore, #tpu.memory_space<semaphore_mem>>
      %dma_start3A_258 = tpu.memref_slice %arg2[%mul3A_4] : memref<819200xi32, #tpu.memory_space<hbm>> -> memref<25600xi32, #tpu.memory_space<hbm>>
      %dma_start3A_259 = tpu.memref_slice %arg2[%mul3A_4] : memref<819200xi32, #tpu.memory_space<hbm>> -> memref<25600xi32, #tpu.memory_space<hbm>>
      tpu.enqueue_dma source(%dma_start3A_259 : memref<25600xi32, #tpu.memory_space<hbm>>) target(%arg5 : memref<25600xi32, #tpu.memory_space<vmem>>) target_semaphore(%run_scoped3A : memref<!tpu.dma_semaphore, #tpu.memory_space<semaphore_mem>>)
      %dma_wait3A_260 = tpu.memref_slice %arg2[%mul3A_4] : memref<819200xi32, #tpu.memory_space<hbm>> -> memref<25600xi32, #tpu.memory_space<hbm>>
      %dma_wait3A_261 = tpu.memref_slice %arg2[%mul3A_4] : memref<819200xi32, #tpu.memory_space<hbm>> -> memref<25600xi32, #tpu.memory_space<hbm>>
      tpu.wait_dma2 semaphore(%run_scoped3A : memref<!tpu.dma_semaphore, #tpu.memory_space<semaphore_mem>>) src(%dma_wait3A_261 : memref<25600xi32, #tpu.memory_space<hbm>>) dst(%arg5 : memref<25600xi32, #tpu.memory_space<vmem>>)
      tpu.yield
    }) : () -> ()
    %dma_start3A = arith.constant 0 : i32
    %dma_start3A_5 = arith.constant 0 : i32
    %dma_start3A_6 = arith.constant 0 : i32
    %dma_start3A_7 = tpu.memref_slice %arg6[%dma_start3A, %dma_start3A_5, %dma_start3A_6] : memref<3x200x128xf32, #tpu.memory_space<vmem>> -> memref<1x128x128xf32, #tpu.memory_space<vmem>>
    %dma_start3A_8 = tpu.memref_squeeze %dma_start3A_7 : memref<1x128x128xf32, #tpu.memory_space<vmem>> -> memref<128x128xf32, #tpu.memory_space<vmem>>
    %dma_start3A_9 = arith.constant 0 : i32
    %dma_start3A_10 = tpu.memref_slice %arg5[%dma_start3A_9] : memref<25600xi32, #tpu.memory_space<vmem>> -> memref<128xi32, #tpu.memory_space<vmem>>
    %dma_start3A_11 = arith.constant 0 : i32
    %dma_start3A_12 = arith.constant 0 : i32
    %dma_start3A_13 = tpu.memref_slice %arg3[%dma_start3A_11, %dma_start3A_12] : memref<1000000x128xf32, #tpu.memory_space<hbm>> -> memref<1000000x128xf32, #tpu.memory_space<hbm>>
    tpu.enqueue_indirect_dma source(%dma_start3A_13 : memref<1000000x128xf32, #tpu.memory_space<hbm>>) target(%dma_start3A_8 : memref<128x128xf32, #tpu.memory_space<vmem>>) offsets(%dma_start3A_10 : memref<128xi32, #tpu.memory_space<vmem>>) semaphore(%arg8 : memref<!tpu.dma_semaphore, #tpu.memory_space<semaphore_mem>>)
    %dma_start3A_14 = arith.constant 0 : i32
    %dma_start3A_15 = arith.constant 128 : i32
    %dma_start3A_16 = arith.constant 0 : i32
    %dma_start3A_17 = tpu.memref_slice %arg6[%dma_start3A_14, %dma_start3A_15, %dma_start3A_16] : memref<3x200x128xf32, #tpu.memory_space<vmem>> -> memref<1x72x128xf32, #tpu.memory_space<vmem>>
    %dma_start3A_18 = tpu.memref_squeeze %dma_start3A_17 : memref<1x72x128xf32, #tpu.memory_space<vmem>> -> memref<72x128xf32, #tpu.memory_space<vmem>>
    %dma_start3A_19 = arith.constant 128 : i32
    %dma_start3A_20 = tpu.memref_slice %arg5[%dma_start3A_19] : memref<25600xi32, #tpu.memory_space<vmem>> -> memref<72xi32, #tpu.memory_space<vmem>>
    %dma_start3A_21 = arith.constant 0 : i32
    %dma_start3A_22 = arith.constant 0 : i32
    %dma_start3A_23 = tpu.memref_slice %arg3[%dma_start3A_21, %dma_start3A_22] : memref<1000000x128xf32, #tpu.memory_space<hbm>> -> memref<1000000x128xf32, #tpu.memory_space<hbm>>
    tpu.enqueue_indirect_dma source(%dma_start3A_23 : memref<1000000x128xf32, #tpu.memory_space<hbm>>) target(%dma_start3A_18 : memref<72x128xf32, #tpu.memory_space<vmem>>) offsets(%dma_start3A_20 : memref<72xi32, #tpu.memory_space<vmem>>) semaphore(%arg9 : memref<!tpu.dma_semaphore, #tpu.memory_space<semaphore_mem>>)
    %dma_start3A_24 = arith.constant 1 : i32
    %dma_start3A_25 = arith.constant 0 : i32
    %dma_start3A_26 = arith.constant 0 : i32
    %dma_start3A_27 = tpu.memref_slice %arg6[%dma_start3A_24, %dma_start3A_25, %dma_start3A_26] : memref<3x200x128xf32, #tpu.memory_space<vmem>> -> memref<1x128x128xf32, #tpu.memory_space<vmem>>
    %dma_start3A_28 = tpu.memref_squeeze %dma_start3A_27 : memref<1x128x128xf32, #tpu.memory_space<vmem>> -> memref<128x128xf32, #tpu.memory_space<vmem>>
    %dma_start3A_29 = arith.constant 200 : i32
    %dma_start3A_30 = tpu.memref_slice %arg5[%dma_start3A_29] : memref<25600xi32, #tpu.memory_space<vmem>> -> memref<128xi32, #tpu.memory_space<vmem>>
    %dma_start3A_31 = arith.constant 0 : i32
    %dma_start3A_32 = arith.constant 0 : i32
    %dma_start3A_33 = tpu.memref_slice %arg3[%dma_start3A_31, %dma_start3A_32] : memref<1000000x128xf32, #tpu.memory_space<hbm>> -> memref<1000000x128xf32, #tpu.memory_space<hbm>>
    tpu.enqueue_indirect_dma source(%dma_start3A_33 : memref<1000000x128xf32, #tpu.memory_space<hbm>>) target(%dma_start3A_28 : memref<128x128xf32, #tpu.memory_space<vmem>>) offsets(%dma_start3A_30 : memref<128xi32, #tpu.memory_space<vmem>>) semaphore(%arg10 : memref<!tpu.dma_semaphore, #tpu.memory_space<semaphore_mem>>)
    %dma_start3A_34 = arith.constant 1 : i32
    %dma_start3A_35 = arith.constant 128 : i32
    %dma_start3A_36 = arith.constant 0 : i32
    %dma_start3A_37 = tpu.memref_slice %arg6[%dma_start3A_34, %dma_start3A_35, %dma_start3A_36] : memref<3x200x128xf32, #tpu.memory_space<vmem>> -> memref<1x72x128xf32, #tpu.memory_space<vmem>>
    %dma_start3A_38 = tpu.memref_squeeze %dma_start3A_37 : memref<1x72x128xf32, #tpu.memory_space<vmem>> -> memref<72x128xf32, #tpu.memory_space<vmem>>
    %dma_start3A_39 = arith.constant 328 : i32
    %dma_start3A_40 = tpu.memref_slice %arg5[%dma_start3A_39] : memref<25600xi32, #tpu.memory_space<vmem>> -> memref<72xi32, #tpu.memory_space<vmem>>
    %dma_start3A_41 = arith.constant 0 : i32
    %dma_start3A_42 = arith.constant 0 : i32
    %dma_start3A_43 = tpu.memref_slice %arg3[%dma_start3A_41, %dma_start3A_42] : memref<1000000x128xf32, #tpu.memory_space<hbm>> -> memref<1000000x128xf32, #tpu.memory_space<hbm>>
    tpu.enqueue_indirect_dma source(%dma_start3A_43 : memref<1000000x128xf32, #tpu.memory_space<hbm>>) target(%dma_start3A_38 : memref<72x128xf32, #tpu.memory_space<vmem>>) offsets(%dma_start3A_40 : memref<72xi32, #tpu.memory_space<vmem>>) semaphore(%arg11 : memref<!tpu.dma_semaphore, #tpu.memory_space<semaphore_mem>>)
    %dma_start3A_44 = arith.constant 2 : i32
    %dma_start3A_45 = arith.constant 0 : i32
    %dma_start3A_46 = arith.constant 0 : i32
    %dma_start3A_47 = tpu.memref_slice %arg6[%dma_start3A_44, %dma_start3A_45, %dma_start3A_46] : memref<3x200x128xf32, #tpu.memory_space<vmem>> -> memref<1x128x128xf32, #tpu.memory_space<vmem>>
    %dma_start3A_48 = tpu.memref_squeeze %dma_start3A_47 : memref<1x128x128xf32, #tpu.memory_space<vmem>> -> memref<128x128xf32, #tpu.memory_space<vmem>>
    %dma_start3A_49 = arith.constant 400 : i32
    %dma_start3A_50 = tpu.memref_slice %arg5[%dma_start3A_49] : memref<25600xi32, #tpu.memory_space<vmem>> -> memref<128xi32, #tpu.memory_space<vmem>>
    %dma_start3A_51 = arith.constant 0 : i32
    %dma_start3A_52 = arith.constant 0 : i32
    %dma_start3A_53 = tpu.memref_slice %arg3[%dma_start3A_51, %dma_start3A_52] : memref<1000000x128xf32, #tpu.memory_space<hbm>> -> memref<1000000x128xf32, #tpu.memory_space<hbm>>
    tpu.enqueue_indirect_dma source(%dma_start3A_53 : memref<1000000x128xf32, #tpu.memory_space<hbm>>) target(%dma_start3A_48 : memref<128x128xf32, #tpu.memory_space<vmem>>) offsets(%dma_start3A_50 : memref<128xi32, #tpu.memory_space<vmem>>) semaphore(%arg12 : memref<!tpu.dma_semaphore, #tpu.memory_space<semaphore_mem>>)
    %dma_start3A_54 = arith.constant 2 : i32
    %dma_start3A_55 = arith.constant 128 : i32
    %dma_start3A_56 = arith.constant 0 : i32
    %dma_start3A_57 = tpu.memref_slice %arg6[%dma_start3A_54, %dma_start3A_55, %dma_start3A_56] : memref<3x200x128xf32, #tpu.memory_space<vmem>> -> memref<1x72x128xf32, #tpu.memory_space<vmem>>
    %dma_start3A_58 = tpu.memref_squeeze %dma_start3A_57 : memref<1x72x128xf32, #tpu.memory_space<vmem>> -> memref<72x128xf32, #tpu.memory_space<vmem>>
    %dma_start3A_59 = arith.constant 528 : i32
    %dma_start3A_60 = tpu.memref_slice %arg5[%dma_start3A_59] : memref<25600xi32, #tpu.memory_space<vmem>> -> memref<72xi32, #tpu.memory_space<vmem>>
    %dma_start3A_61 = arith.constant 0 : i32
    %dma_start3A_62 = arith.constant 0 : i32
    %dma_start3A_63 = tpu.memref_slice %arg3[%dma_start3A_61, %dma_start3A_62] : memref<1000000x128xf32, #tpu.memory_space<hbm>> -> memref<1000000x128xf32, #tpu.memory_space<hbm>>
    tpu.enqueue_indirect_dma source(%dma_start3A_63 : memref<1000000x128xf32, #tpu.memory_space<hbm>>) target(%dma_start3A_58 : memref<72x128xf32, #tpu.memory_space<vmem>>) offsets(%dma_start3A_60 : memref<72xi32, #tpu.memory_space<vmem>>) semaphore(%arg13 : memref<!tpu.dma_semaphore, #tpu.memory_space<semaphore_mem>>)
    %scan3A = arith.constant 0 : i32
    %scan3A_64 = arith.constant 0 : i32
    %scan3A_65 = arith.constant 42 : i32
    %scan3A_66 = arith.addi %scan3A_64, %scan3A_65 : i32
    %scan3A_67 = arith.constant 1 : i32
    scf.for %scan3A_258 = %scan3A_64 to %scan3A_66 step %scan3A_67  : i32 {
      %mul3A_259 = arith.constant 3 : i32
      %mul3A_260 = arith.muli %scan3A_258, %mul3A_259 : i32
      %add3A_261 = arith.constant 0 : i32
      %add3A_262 = arith.addi %mul3A_260, %add3A_261 : i32
      %mul3A_263 = arith.constant 200 : i32
      %mul3A_264 = arith.muli %add3A_262, %mul3A_263 : i32
      %add3A_265 = arith.constant 128 : i32
      %add3A_266 = arith.addi %mul3A_264, %add3A_265 : i32
      %add3A_267 = arith.constant 3 : i32
      %add3A_268 = arith.addi %add3A_262, %add3A_267 : i32
      %min3A = arith.constant 127 : i32
      %min3A_269 = arith.minsi %add3A_268, %min3A : i32
      %mul3A_270 = arith.constant 200 : i32
      %mul3A_271 = arith.muli %min3A_269, %mul3A_270 : i32
      %add3A_272 = arith.constant 128 : i32
      %add3A_273 = arith.addi %mul3A_271, %add3A_272 : i32
      %broadcast_in_dim3A_274 = arith.constant 0.000000e+00 : f32
      %broadcast_in_dim3A_275 = vector.broadcast %broadcast_in_dim3A_274 : f32 to vector<16xf32>
      %broadcast_in_dim3A_276 = arith.constant 0.000000e+00 : f32
      %broadcast_in_dim3A_277 = vector.broadcast %broadcast_in_dim3A_276 : f32 to vector<16xf32>
      %broadcast_in_dim3A_278 = arith.constant 0.000000e+00 : f32
      %broadcast_in_dim3A_279 = vector.broadcast %broadcast_in_dim3A_278 : f32 to vector<16xf32>
      %broadcast_in_dim3A_280 = arith.constant 0.000000e+00 : f32
      %broadcast_in_dim3A_281 = vector.broadcast %broadcast_in_dim3A_280 : f32 to vector<16xf32>
      %broadcast_in_dim3A_282 = arith.constant 0.000000e+00 : f32
      %broadcast_in_dim3A_283 = vector.broadcast %broadcast_in_dim3A_282 : f32 to vector<16xf32>
      %broadcast_in_dim3A_284 = arith.constant 0.000000e+00 : f32
      %broadcast_in_dim3A_285 = vector.broadcast %broadcast_in_dim3A_284 : f32 to vector<16xf32>
      %broadcast_in_dim3A_286 = arith.constant 0.000000e+00 : f32
      %broadcast_in_dim3A_287 = vector.broadcast %broadcast_in_dim3A_286 : f32 to vector<16xf32>
      %broadcast_in_dim3A_288 = arith.constant 0.000000e+00 : f32
      %broadcast_in_dim3A_289 = vector.broadcast %broadcast_in_dim3A_288 : f32 to vector<16xf32>
      %dma_wait3A_290 = arith.constant 0 : i32
      %dma_wait3A_291 = arith.constant 0 : i32
      %dma_wait3A_292 = arith.constant 0 : i32
      %dma_wait3A_293 = tpu.memref_slice %arg6[%dma_wait3A_290, %dma_wait3A_291, %dma_wait3A_292] : memref<3x200x128xf32, #tpu.memory_space<vmem>> -> memref<1x128x128xf32, #tpu.memory_space<vmem>>
      %dma_wait3A_294 = tpu.memref_squeeze %dma_wait3A_293 : memref<1x128x128xf32, #tpu.memory_space<vmem>> -> memref<128x128xf32, #tpu.memory_space<vmem>>
      %dma_wait3A_295 = tpu.memref_slice %arg5[%mul3A_264] : memref<25600xi32, #tpu.memory_space<vmem>> -> memref<128xi32, #tpu.memory_space<vmem>>
      %dma_wait3A_296 = arith.constant 0 : i32
      %dma_wait3A_297 = arith.constant 0 : i32
      %dma_wait3A_298 = tpu.memref_slice %arg3[%dma_wait3A_296, %dma_wait3A_297] : memref<1000000x128xf32, #tpu.memory_space<hbm>> -> memref<1000000x128xf32, #tpu.memory_space<hbm>>
      tpu.wait_indirect_dma semaphore(%arg8 : memref<!tpu.dma_semaphore, #tpu.memory_space<semaphore_mem>>) src(%dma_wait3A_298 : memref<1000000x128xf32, #tpu.memory_space<hbm>>) dst(%dma_wait3A_294 : memref<128x128xf32, #tpu.memory_space<vmem>>)
      %scan3A_299 = arith.constant 0 : i32
      %scan3A_300 = arith.constant 128 : i32
      %scan3A_301 = arith.addi %scan3A_299, %scan3A_300 : i32
      %scan3A_302 = arith.constant 1 : i32
      %scan3A_303:8 = scf.for %scan3A_609 = %scan3A_299 to %scan3A_301 step %scan3A_302 iter_args(%scan3A_610 = %broadcast_in_dim3A_275, %scan3A_611 = %broadcast_in_dim3A_277, %scan3A_612 = %broadcast_in_dim3A_279, %scan3A_613 = %broadcast_in_dim3A_281, %scan3A_614 = %broadcast_in_dim3A_283, %scan3A_615 = %broadcast_in_dim3A_285, %scan3A_616 = %broadcast_in_dim3A_287, %scan3A_617 = %broadcast_in_dim3A_289) -> (vector<16xf32>, vector<16xf32>, vector<16xf32>, vector<16xf32>, vector<16xf32>, vector<16xf32>, vector<16xf32>, vector<16xf32>)  : i32 {
        %get3A = arith.constant 0 : i32
        %get3A_618 = arith.index_cast %get3A : i32 to index
        %get3A_619 = arith.index_cast %scan3A_609 : i32 to index
        %get3A_620 = arith.constant 0 : index
        %get3A_621 = tpu.vector_load %arg6[%get3A_618, %get3A_619, %get3A_620] {strides = array<i32>} : memref<3x200x128xf32, #tpu.memory_space<vmem>>, vector<1x1x16xf32>,
        %get3A_622 = vector.shape_cast %get3A_621 : vector<1x1x16xf32> to vector<16xf32>
        %add3A_623 = arith.addf %scan3A_610, %get3A_622 : vector<16xf32>
        %get3A_624 = arith.constant 0 : i32
        %get3A_625 = arith.index_cast %get3A_624 : i32 to index
        %get3A_626 = arith.index_cast %scan3A_609 : i32 to index
        %get3A_627 = arith.constant 16 : index
        %get3A_628 = tpu.vector_load %arg6[%get3A_625, %get3A_626, %get3A_627] {strides = array<i32>} : memref<3x200x128xf32, #tpu.memory_space<vmem>>, vector<1x1x16xf32>,
        %get3A_629 = vector.shape_cast %get3A_628 : vector<1x1x16xf32> to vector<16xf32>
        %add3A_630 = arith.addf %scan3A_611, %get3A_629 : vector<16xf32>
        %get3A_631 = arith.constant 0 : i32
        %get3A_632 = arith.index_cast %get3A_631 : i32 to index
        %get3A_633 = arith.index_cast %scan3A_609 : i32 to index
        %get3A_634 = arith.constant 32 : index
        %get3A_635 = tpu.vector_load %arg6[%get3A_632, %get3A_633, %get3A_634] {strides = array<i32>} : memref<3x200x128xf32, #tpu.memory_space<vmem>>, vector<1x1x16xf32>,
        %get3A_636 = vector.shape_cast %get3A_635 : vector<1x1x16xf32> to vector<16xf32>
        %add3A_637 = arith.addf %scan3A_612, %get3A_636 : vector<16xf32>
        %get3A_638 = arith.constant 0 : i32
        %get3A_639 = arith.index_cast %get3A_638 : i32 to index
        %get3A_640 = arith.index_cast %scan3A_609 : i32 to index
        %get3A_641 = arith.constant 48 : index
        %get3A_642 = tpu.vector_load %arg6[%get3A_639, %get3A_640, %get3A_641] {strides = array<i32>} : memref<3x200x128xf32, #tpu.memory_space<vmem>>, vector<1x1x16xf32>,
        %get3A_643 = vector.shape_cast %get3A_642 : vector<1x1x16xf32> to vector<16xf32>
        %add3A_644 = arith.addf %scan3A_613, %get3A_643 : vector<16xf32>
        %get3A_645 = arith.constant 0 : i32
        %get3A_646 = arith.index_cast %get3A_645 : i32 to index
        %get3A_647 = arith.index_cast %scan3A_609 : i32 to index
        %get3A_648 = arith.constant 64 : index
        %get3A_649 = tpu.vector_load %arg6[%get3A_646, %get3A_647, %get3A_648] {strides = array<i32>} : memref<3x200x128xf32, #tpu.memory_space<vmem>>, vector<1x1x16xf32>,
        %get3A_650 = vector.shape_cast %get3A_649 : vector<1x1x16xf32> to vector<16xf32>
        %add3A_651 = arith.addf %scan3A_614, %get3A_650 : vector<16xf32>
        %get3A_652 = arith.constant 0 : i32
        %get3A_653 = arith.index_cast %get3A_652 : i32 to index
        %get3A_654 = arith.index_cast %scan3A_609 : i32 to index
        %get3A_655 = arith.constant 80 : index
        %get3A_656 = tpu.vector_load %arg6[%get3A_653, %get3A_654, %get3A_655] {strides = array<i32>} : memref<3x200x128xf32, #tpu.memory_space<vmem>>, vector<1x1x16xf32>,
        %get3A_657 = vector.shape_cast %get3A_656 : vector<1x1x16xf32> to vector<16xf32>
        %add3A_658 = arith.addf %scan3A_615, %get3A_657 : vector<16xf32>
        %get3A_659 = arith.constant 0 : i32
        %get3A_660 = arith.index_cast %get3A_659 : i32 to index
        %get3A_661 = arith.index_cast %scan3A_609 : i32 to index
        %get3A_662 = arith.constant 96 : index
        %get3A_663 = tpu.vector_load %arg6[%get3A_660, %get3A_661, %get3A_662] {strides = array<i32>} : memref<3x200x128xf32, #tpu.memory_space<vmem>>, vector<1x1x16xf32>,
        %get3A_664 = vector.shape_cast %get3A_663 : vector<1x1x16xf32> to vector<16xf32>
        %add3A_665 = arith.addf %scan3A_616, %get3A_664 : vector<16xf32>
        %get3A_666 = arith.constant 0 : i32
        %get3A_667 = arith.index_cast %get3A_666 : i32 to index
        %get3A_668 = arith.index_cast %scan3A_609 : i32 to index
        %get3A_669 = arith.constant 112 : index
        %get3A_670 = tpu.vector_load %arg6[%get3A_667, %get3A_668, %get3A_669] {strides = array<i32>} : memref<3x200x128xf32, #tpu.memory_space<vmem>>, vector<1x1x16xf32>,
        %get3A_671 = vector.shape_cast %get3A_670 : vector<1x1x16xf32> to vector<16xf32>
        %add3A_672 = arith.addf %scan3A_617, %get3A_671 : vector<16xf32>
        scf.yield %add3A_623, %add3A_630, %add3A_637, %add3A_644, %add3A_651, %add3A_658, %add3A_665, %add3A_672 : vector<16xf32>, vector<16xf32>, vector<16xf32>, vector<16xf32>, vector<16xf32>, vector<16xf32>, vector<16xf32>, vector<16xf32>
      }
      %scan3A_304 = arith.constant 128 : i32
      %add3A_305 = arith.constant 3 : i32
      %add3A_306 = arith.addi %add3A_262, %add3A_305 : i32
      %lt3A = arith.constant 128 : i32
      %lt3A_307 = arith.cmpi slt, %add3A_306, %lt3A : i32
      %convert_element_type3A = arith.extui %lt3A_307 : i1 to i32
      %cond3A = arith.constant 0 : i32
      %cond3A_308 = arith.constant 0 : i32
      %cond3A_309 = arith.cmpi ne, %convert_element_type3A, %cond3A_308 : i32
      scf.if %cond3A_309 {
        %dma_start3A_609 = arith.constant 0 : i32
        %dma_start3A_610 = arith.constant 0 : i32
        %dma_start3A_611 = tpu.memref_slice %arg6[%cond3A, %dma_start3A_609, %dma_start3A_610] : memref<3x200x128xf32, #tpu.memory_space<vmem>> -> memref<1x128x128xf32, #tpu.memory_space<vmem>>
        %dma_start3A_612 = tpu.memref_squeeze %dma_start3A_611 : memref<1x128x128xf32, #tpu.memory_space<vmem>> -> memref<128x128xf32, #tpu.memory_space<vmem>>
        %dma_start3A_613 = tpu.memref_slice %arg5[%mul3A_271] : memref<25600xi32, #tpu.memory_space<vmem>> -> memref<128xi32, #tpu.memory_space<vmem>>
        %dma_start3A_614 = arith.constant 0 : i32
        %dma_start3A_615 = arith.constant 0 : i32
        %dma_start3A_616 = tpu.memref_slice %arg3[%dma_start3A_614, %dma_start3A_615] : memref<1000000x128xf32, #tpu.memory_space<hbm>> -> memref<1000000x128xf32, #tpu.memory_space<hbm>>
        tpu.enqueue_indirect_dma source(%dma_start3A_616 : memref<1000000x128xf32, #tpu.memory_space<hbm>>) target(%dma_start3A_612 : memref<128x128xf32, #tpu.memory_space<vmem>>) offsets(%dma_start3A_613 : memref<128xi32, #tpu.memory_space<vmem>>) semaphore(%arg8 : memref<!tpu.dma_semaphore, #tpu.memory_space<semaphore_mem>>)
      } else {
      }
      %dma_wait3A_310 = arith.constant 0 : i32
      %dma_wait3A_311 = arith.constant 128 : i32
      %dma_wait3A_312 = arith.constant 0 : i32
      %dma_wait3A_313 = tpu.memref_slice %arg6[%dma_wait3A_310, %dma_wait3A_311, %dma_wait3A_312] : memref<3x200x128xf32, #tpu.memory_space<vmem>> -> memref<1x72x128xf32, #tpu.memory_space<vmem>>
      %dma_wait3A_314 = tpu.memref_squeeze %dma_wait3A_313 : memref<1x72x128xf32, #tpu.memory_space<vmem>> -> memref<72x128xf32, #tpu.memory_space<vmem>>
      %dma_wait3A_315 = tpu.memref_slice %arg5[%add3A_266] : memref<25600xi32, #tpu.memory_space<vmem>> -> memref<72xi32, #tpu.memory_space<vmem>>
      %dma_wait3A_316 = arith.constant 0 : i32
      %dma_wait3A_317 = arith.constant 0 : i32
      %dma_wait3A_318 = tpu.memref_slice %arg3[%dma_wait3A_316, %dma_wait3A_317] : memref<1000000x128xf32, #tpu.memory_space<hbm>> -> memref<1000000x128xf32, #tpu.memory_space<hbm>>
      tpu.wait_indirect_dma semaphore(%arg9 : memref<!tpu.dma_semaphore, #tpu.memory_space<semaphore_mem>>) src(%dma_wait3A_318 : memref<1000000x128xf32, #tpu.memory_space<hbm>>) dst(%dma_wait3A_314 : memref<72x128xf32, #tpu.memory_space<vmem>>)
      %scan3A_319 = arith.constant 128 : i32
      %scan3A_320 = arith.constant 72 : i32
      %scan3A_321 = arith.addi %scan3A_319, %scan3A_320 : i32
      %scan3A_322 = arith.constant 1 : i32
      %scan3A_323:8 = scf.for %scan3A_609 = %scan3A_319 to %scan3A_321 step %scan3A_322 iter_args(%scan3A_610 = %scan3A_303#0, %scan3A_611 = %scan3A_303#1, %scan3A_612 = %scan3A_303#2, %scan3A_613 = %scan3A_303#3, %scan3A_614 = %scan3A_303#4, %scan3A_615 = %scan3A_303#5, %scan3A_616 = %scan3A_303#6, %scan3A_617 = %scan3A_303#7) -> (vector<16xf32>, vector<16xf32>, vector<16xf32>, vector<16xf32>, vector<16xf32>, vector<16xf32>, vector<16xf32>, vector<16xf32>)  : i32 {
        %get3A = arith.constant 0 : i32
        %get3A_618 = arith.index_cast %get3A : i32 to index
        %get3A_619 = arith.index_cast %scan3A_609 : i32 to index
        %get3A_620 = arith.constant 0 : index
        %get3A_621 = tpu.vector_load %arg6[%get3A_618, %get3A_619, %get3A_620] {strides = array<i32>} : memref<3x200x128xf32, #tpu.memory_space<vmem>>, vector<1x1x16xf32>,
        %get3A_622 = vector.shape_cast %get3A_621 : vector<1x1x16xf32> to vector<16xf32>
        %add3A_623 = arith.addf %scan3A_610, %get3A_622 : vector<16xf32>
        %get3A_624 = arith.constant 0 : i32
        %get3A_625 = arith.index_cast %get3A_624 : i32 to index
        %get3A_626 = arith.index_cast %scan3A_609 : i32 to index
        %get3A_627 = arith.constant 16 : index
        %get3A_628 = tpu.vector_load %arg6[%get3A_625, %get3A_626, %get3A_627] {strides = array<i32>} : memref<3x200x128xf32, #tpu.memory_space<vmem>>, vector<1x1x16xf32>,
        %get3A_629 = vector.shape_cast %get3A_628 : vector<1x1x16xf32> to vector<16xf32>
        %add3A_630 = arith.addf %scan3A_611, %get3A_629 : vector<16xf32>
        %get3A_631 = arith.constant 0 : i32
        %get3A_632 = arith.index_cast %get3A_631 : i32 to index
        %get3A_633 = arith.index_cast %scan3A_609 : i32 to index
        %get3A_634 = arith.constant 32 : index
        %get3A_635 = tpu.vector_load %arg6[%get3A_632, %get3A_633, %get3A_634] {strides = array<i32>} : memref<3x200x128xf32, #tpu.memory_space<vmem>>, vector<1x1x16xf32>,
        %get3A_636 = vector.shape_cast %get3A_635 : vector<1x1x16xf32> to vector<16xf32>
        %add3A_637 = arith.addf %scan3A_612, %get3A_636 : vector<16xf32>
        %get3A_638 = arith.constant 0 : i32
        %get3A_639 = arith.index_cast %get3A_638 : i32 to index
        %get3A_640 = arith.index_cast %scan3A_609 : i32 to index
        %get3A_641 = arith.constant 48 : index
        %get3A_642 = tpu.vector_load %arg6[%get3A_639, %get3A_640, %get3A_641] {strides = array<i32>} : memref<3x200x128xf32, #tpu.memory_space<vmem>>, vector<1x1x16xf32>,
        %get3A_643 = vector.shape_cast %get3A_642 : vector<1x1x16xf32> to vector<16xf32>
        %add3A_644 = arith.addf %scan3A_613, %get3A_643 : vector<16xf32>
        %get3A_645 = arith.constant 0 : i32
        %get3A_646 = arith.index_cast %get3A_645 : i32 to index
        %get3A_647 = arith.index_cast %scan3A_609 : i32 to index
        %get3A_648 = arith.constant 64 : index
        %get3A_649 = tpu.vector_load %arg6[%get3A_646, %get3A_647, %get3A_648] {strides = array<i32>} : memref<3x200x128xf32, #tpu.memory_space<vmem>>, vector<1x1x16xf32>,
        %get3A_650 = vector.shape_cast %get3A_649 : vector<1x1x16xf32> to vector<16xf32>
        %add3A_651 = arith.addf %scan3A_614, %get3A_650 : vector<16xf32>
        %get3A_652 = arith.constant 0 : i32
        %get3A_653 = arith.index_cast %get3A_652 : i32 to index
        %get3A_654 = arith.index_cast %scan3A_609 : i32 to index
        %get3A_655 = arith.constant 80 : index
        %get3A_656 = tpu.vector_load %arg6[%get3A_653, %get3A_654, %get3A_655] {strides = array<i32>} : memref<3x200x128xf32, #tpu.memory_space<vmem>>, vector<1x1x16xf32>,
        %get3A_657 = vector.shape_cast %get3A_656 : vector<1x1x16xf32> to vector<16xf32>
        %add3A_658 = arith.addf %scan3A_615, %get3A_657 : vector<16xf32>
        %get3A_659 = arith.constant 0 : i32
        %get3A_660 = arith.index_cast %get3A_659 : i32 to index
        %get3A_661 = arith.index_cast %scan3A_609 : i32 to index
        %get3A_662 = arith.constant 96 : index
        %get3A_663 = tpu.vector_load %arg6[%get3A_660, %get3A_661, %get3A_662] {strides = array<i32>} : memref<3x200x128xf32, #tpu.memory_space<vmem>>, vector<1x1x16xf32>,
        %get3A_664 = vector.shape_cast %get3A_663 : vector<1x1x16xf32> to vector<16xf32>
        %add3A_665 = arith.addf %scan3A_616, %get3A_664 : vector<16xf32>
        %get3A_666 = arith.constant 0 : i32
        %get3A_667 = arith.index_cast %get3A_666 : i32 to index
        %get3A_668 = arith.index_cast %scan3A_609 : i32 to index
        %get3A_669 = arith.constant 112 : index
        %get3A_670 = tpu.vector_load %arg6[%get3A_667, %get3A_668, %get3A_669] {strides = array<i32>} : memref<3x200x128xf32, #tpu.memory_space<vmem>>, vector<1x1x16xf32>,
        %get3A_671 = vector.shape_cast %get3A_670 : vector<1x1x16xf32> to vector<16xf32>
        %add3A_672 = arith.addf %scan3A_617, %get3A_671 : vector<16xf32>
        scf.yield %add3A_623, %add3A_630, %add3A_637, %add3A_644, %add3A_651, %add3A_658, %add3A_665, %add3A_672 : vector<16xf32>, vector<16xf32>, vector<16xf32>, vector<16xf32>, vector<16xf32>, vector<16xf32>, vector<16xf32>, vector<16xf32>
      }
      %scan3A_324 = arith.constant 72 : i32
      %add3A_325 = arith.constant 3 : i32
      %add3A_326 = arith.addi %add3A_262, %add3A_325 : i32
      %lt3A_327 = arith.constant 128 : i32
      %lt3A_328 = arith.cmpi slt, %add3A_326, %lt3A_327 : i32
      %convert_element_type3A_329 = arith.extui %lt3A_328 : i1 to i32
      %cond3A_330 = arith.constant 0 : i32
      %cond3A_331 = arith.constant 0 : i32
      %cond3A_332 = arith.cmpi ne, %convert_element_type3A_329, %cond3A_331 : i32
      scf.if %cond3A_332 {
        %dma_start3A_609 = arith.constant 128 : i32
        %dma_start3A_610 = arith.constant 0 : i32
        %dma_start3A_611 = tpu.memref_slice %arg6[%cond3A_330, %dma_start3A_609, %dma_start3A_610] : memref<3x200x128xf32, #tpu.memory_space<vmem>> -> memref<1x72x128xf32, #tpu.memory_space<vmem>>
        %dma_start3A_612 = tpu.memref_squeeze %dma_start3A_611 : memref<1x72x128xf32, #tpu.memory_space<vmem>> -> memref<72x128xf32, #tpu.memory_space<vmem>>
        %dma_start3A_613 = tpu.memref_slice %arg5[%add3A_273] : memref<25600xi32, #tpu.memory_space<vmem>> -> memref<72xi32, #tpu.memory_space<vmem>>
        %dma_start3A_614 = arith.constant 0 : i32
        %dma_start3A_615 = arith.constant 0 : i32
        %dma_start3A_616 = tpu.memref_slice %arg3[%dma_start3A_614, %dma_start3A_615] : memref<1000000x128xf32, #tpu.memory_space<hbm>> -> memref<1000000x128xf32, #tpu.memory_space<hbm>>
        tpu.enqueue_indirect_dma source(%dma_start3A_616 : memref<1000000x128xf32, #tpu.memory_space<hbm>>) target(%dma_start3A_612 : memref<72x128xf32, #tpu.memory_space<vmem>>) offsets(%dma_start3A_613 : memref<72xi32, #tpu.memory_space<vmem>>) semaphore(%arg9 : memref<!tpu.dma_semaphore, #tpu.memory_space<semaphore_mem>>)
      } else {
      }
      %swap3A_333 = arith.index_cast %add3A_262 : i32 to index
      %swap3A_334 = arith.constant 0 : index
      %swap3A_335 = tpu.vector_load %arg7[%swap3A_333, %swap3A_334] {strides = array<i32>} : memref<128x128xf32, #tpu.memory_space<vmem>>, vector<1x16xf32>,
      %swap3A_336 = vector.shape_cast %swap3A_335 : vector<1x16xf32> to vector<16xf32>
      %swap3A_337 = vector.shape_cast %scan3A_323#0 : vector<16xf32> to vector<1x16xf32>
      tpu.vector_store %arg7[%swap3A_333, %swap3A_334], %swap3A_337 {strides = array<i32>} : memref<128x128xf32, #tpu.memory_space<vmem>>, vector<1x16xf32>,
      %swap3A_338 = arith.index_cast %add3A_262 : i32 to index
      %swap3A_339 = arith.constant 16 : index
      %swap3A_340 = tpu.vector_load %arg7[%swap3A_338, %swap3A_339] {strides = array<i32>} : memref<128x128xf32, #tpu.memory_space<vmem>>, vector<1x16xf32>,
      %swap3A_341 = vector.shape_cast %swap3A_340 : vector<1x16xf32> to vector<16xf32>
      %swap3A_342 = vector.shape_cast %scan3A_323#1 : vector<16xf32> to vector<1x16xf32>
      tpu.vector_store %arg7[%swap3A_338, %swap3A_339], %swap3A_342 {strides = array<i32>} : memref<128x128xf32, #tpu.memory_space<vmem>>, vector<1x16xf32>,
      %swap3A_343 = arith.index_cast %add3A_262 : i32 to index
      %swap3A_344 = arith.constant 32 : index
      %swap3A_345 = tpu.vector_load %arg7[%swap3A_343, %swap3A_344] {strides = array<i32>} : memref<128x128xf32, #tpu.memory_space<vmem>>, vector<1x16xf32>,
      %swap3A_346 = vector.shape_cast %swap3A_345 : vector<1x16xf32> to vector<16xf32>
      %swap3A_347 = vector.shape_cast %scan3A_323#2 : vector<16xf32> to vector<1x16xf32>
      tpu.vector_store %arg7[%swap3A_343, %swap3A_344], %swap3A_347 {strides = array<i32>} : memref<128x128xf32, #tpu.memory_space<vmem>>, vector<1x16xf32>,
      %swap3A_348 = arith.index_cast %add3A_262 : i32 to index
      %swap3A_349 = arith.constant 48 : index
      %swap3A_350 = tpu.vector_load %arg7[%swap3A_348, %swap3A_349] {strides = array<i32>} : memref<128x128xf32, #tpu.memory_space<vmem>>, vector<1x16xf32>,
      %swap3A_351 = vector.shape_cast %swap3A_350 : vector<1x16xf32> to vector<16xf32>
      %swap3A_352 = vector.shape_cast %scan3A_323#3 : vector<16xf32> to vector<1x16xf32>
      tpu.vector_store %arg7[%swap3A_348, %swap3A_349], %swap3A_352 {strides = array<i32>} : memref<128x128xf32, #tpu.memory_space<vmem>>, vector<1x16xf32>,
      %swap3A_353 = arith.index_cast %add3A_262 : i32 to index
      %swap3A_354 = arith.constant 64 : index
      %swap3A_355 = tpu.vector_load %arg7[%swap3A_353, %swap3A_354] {strides = array<i32>} : memref<128x128xf32, #tpu.memory_space<vmem>>, vector<1x16xf32>,
      %swap3A_356 = vector.shape_cast %swap3A_355 : vector<1x16xf32> to vector<16xf32>
      %swap3A_357 = vector.shape_cast %scan3A_323#4 : vector<16xf32> to vector<1x16xf32>
      tpu.vector_store %arg7[%swap3A_353, %swap3A_354], %swap3A_357 {strides = array<i32>} : memref<128x128xf32, #tpu.memory_space<vmem>>, vector<1x16xf32>,
      %swap3A_358 = arith.index_cast %add3A_262 : i32 to index
      %swap3A_359 = arith.constant 80 : index
      %swap3A_360 = tpu.vector_load %arg7[%swap3A_358, %swap3A_359] {strides = array<i32>} : memref<128x128xf32, #tpu.memory_space<vmem>>, vector<1x16xf32>,
      %swap3A_361 = vector.shape_cast %swap3A_360 : vector<1x16xf32> to vector<16xf32>
      %swap3A_362 = vector.shape_cast %scan3A_323#5 : vector<16xf32> to vector<1x16xf32>
      tpu.vector_store %arg7[%swap3A_358, %swap3A_359], %swap3A_362 {strides = array<i32>} : memref<128x128xf32, #tpu.memory_space<vmem>>, vector<1x16xf32>,
      %swap3A_363 = arith.index_cast %add3A_262 : i32 to index
      %swap3A_364 = arith.constant 96 : index
      %swap3A_365 = tpu.vector_load %arg7[%swap3A_363, %swap3A_364] {strides = array<i32>} : memref<128x128xf32, #tpu.memory_space<vmem>>, vector<1x16xf32>,
      %swap3A_366 = vector.shape_cast %swap3A_365 : vector<1x16xf32> to vector<16xf32>
      %swap3A_367 = vector.shape_cast %scan3A_323#6 : vector<16xf32> to vector<1x16xf32>
      tpu.vector_store %arg7[%swap3A_363, %swap3A_364], %swap3A_367 {strides = array<i32>} : memref<128x128xf32, #tpu.memory_space<vmem>>, vector<1x16xf32>,
      %swap3A_368 = arith.index_cast %add3A_262 : i32 to index
      %swap3A_369 = arith.constant 112 : index
      %swap3A_370 = tpu.vector_load %arg7[%swap3A_368, %swap3A_369] {strides = array<i32>} : memref<128x128xf32, #tpu.memory_space<vmem>>, vector<1x16xf32>,
      %swap3A_371 = vector.shape_cast %swap3A_370 : vector<1x16xf32> to vector<16xf32>
      %swap3A_372 = vector.shape_cast %scan3A_323#7 : vector<16xf32> to vector<1x16xf32>
      tpu.vector_store %arg7[%swap3A_368, %swap3A_369], %swap3A_372 {strides = array<i32>} : memref<128x128xf32, #tpu.memory_space<vmem>>, vector<1x16xf32>,
      %mul3A_373 = arith.constant 3 : i32
      %mul3A_374 = arith.muli %scan3A_258, %mul3A_373 : i32
      %add3A_375 = arith.constant 1 : i32
      %add3A_376 = arith.addi %mul3A_374, %add3A_375 : i32
      %mul3A_377 = arith.constant 200 : i32
      %mul3A_378 = arith.muli %add3A_376, %mul3A_377 : i32
      %add3A_379 = arith.constant 128 : i32
      %add3A_380 = arith.addi %mul3A_378, %add3A_379 : i32
      %add3A_381 = arith.constant 3 : i32
      %add3A_382 = arith.addi %add3A_376, %add3A_381 : i32
      %min3A_383 = arith.constant 127 : i32
      %min3A_384 = arith.minsi %add3A_382, %min3A_383 : i32
      %mul3A_385 = arith.constant 200 : i32
      %mul3A_386 = arith.muli %min3A_384, %mul3A_385 : i32
      %add3A_387 = arith.constant 128 : i32
      %add3A_388 = arith.addi %mul3A_386, %add3A_387 : i32
      %broadcast_in_dim3A_389 = arith.constant 0.000000e+00 : f32
      %broadcast_in_dim3A_390 = vector.broadcast %broadcast_in_dim3A_389 : f32 to vector<16xf32>
      %broadcast_in_dim3A_391 = arith.constant 0.000000e+00 : f32
      %broadcast_in_dim3A_392 = vector.broadcast %broadcast_in_dim3A_391 : f32 to vector<16xf32>
      %broadcast_in_dim3A_393 = arith.constant 0.000000e+00 : f32
      %broadcast_in_dim3A_394 = vector.broadcast %broadcast_in_dim3A_393 : f32 to vector<16xf32>
      %broadcast_in_dim3A_395 = arith.constant 0.000000e+00 : f32
      %broadcast_in_dim3A_396 = vector.broadcast %broadcast_in_dim3A_395 : f32 to vector<16xf32>
      %broadcast_in_dim3A_397 = arith.constant 0.000000e+00 : f32
      %broadcast_in_dim3A_398 = vector.broadcast %broadcast_in_dim3A_397 : f32 to vector<16xf32>
      %broadcast_in_dim3A_399 = arith.constant 0.000000e+00 : f32
      %broadcast_in_dim3A_400 = vector.broadcast %broadcast_in_dim3A_399 : f32 to vector<16xf32>
      %broadcast_in_dim3A_401 = arith.constant 0.000000e+00 : f32
      %broadcast_in_dim3A_402 = vector.broadcast %broadcast_in_dim3A_401 : f32 to vector<16xf32>
      %broadcast_in_dim3A_403 = arith.constant 0.000000e+00 : f32
      %broadcast_in_dim3A_404 = vector.broadcast %broadcast_in_dim3A_403 : f32 to vector<16xf32>
      %dma_wait3A_405 = arith.constant 1 : i32
      %dma_wait3A_406 = arith.constant 0 : i32
      %dma_wait3A_407 = arith.constant 0 : i32
      %dma_wait3A_408 = tpu.memref_slice %arg6[%dma_wait3A_405, %dma_wait3A_406, %dma_wait3A_407] : memref<3x200x128xf32, #tpu.memory_space<vmem>> -> memref<1x128x128xf32, #tpu.memory_space<vmem>>
      %dma_wait3A_409 = tpu.memref_squeeze %dma_wait3A_408 : memref<1x128x128xf32, #tpu.memory_space<vmem>> -> memref<128x128xf32, #tpu.memory_space<vmem>>
      %dma_wait3A_410 = tpu.memref_slice %arg5[%mul3A_378] : memref<25600xi32, #tpu.memory_space<vmem>> -> memref<128xi32, #tpu.memory_space<vmem>>
      %dma_wait3A_411 = arith.constant 0 : i32
      %dma_wait3A_412 = arith.constant 0 : i32
      %dma_wait3A_413 = tpu.memref_slice %arg3[%dma_wait3A_411, %dma_wait3A_412] : memref<1000000x128xf32, #tpu.memory_space<hbm>> -> memref<1000000x128xf32, #tpu.memory_space<hbm>>
      tpu.wait_indirect_dma semaphore(%arg10 : memref<!tpu.dma_semaphore, #tpu.memory_space<semaphore_mem>>) src(%dma_wait3A_413 : memref<1000000x128xf32, #tpu.memory_space<hbm>>) dst(%dma_wait3A_409 : memref<128x128xf32, #tpu.memory_space<vmem>>)
      %scan3A_414 = arith.constant 0 : i32
      %scan3A_415 = arith.constant 128 : i32
      %scan3A_416 = arith.addi %scan3A_414, %scan3A_415 : i32
      %scan3A_417 = arith.constant 1 : i32
      %scan3A_418:8 = scf.for %scan3A_609 = %scan3A_414 to %scan3A_416 step %scan3A_417 iter_args(%scan3A_610 = %broadcast_in_dim3A_390, %scan3A_611 = %broadcast_in_dim3A_392, %scan3A_612 = %broadcast_in_dim3A_394, %scan3A_613 = %broadcast_in_dim3A_396, %scan3A_614 = %broadcast_in_dim3A_398, %scan3A_615 = %broadcast_in_dim3A_400, %scan3A_616 = %broadcast_in_dim3A_402, %scan3A_617 = %broadcast_in_dim3A_404) -> (vector<16xf32>, vector<16xf32>, vector<16xf32>, vector<16xf32>, vector<16xf32>, vector<16xf32>, vector<16xf32>, vector<16xf32>)  : i32 {
        %get3A = arith.constant 1 : i32
        %get3A_618 = arith.index_cast %get3A : i32 to index
        %get3A_619 = arith.index_cast %scan3A_609 : i32 to index
        %get3A_620 = arith.constant 0 : index
        %get3A_621 = tpu.vector_load %arg6[%get3A_618, %get3A_619, %get3A_620] {strides = array<i32>} : memref<3x200x128xf32, #tpu.memory_space<vmem>>, vector<1x1x16xf32>,
        %get3A_622 = vector.shape_cast %get3A_621 : vector<1x1x16xf32> to vector<16xf32>
        %add3A_623 = arith.addf %scan3A_610, %get3A_622 : vector<16xf32>
        %get3A_624 = arith.constant 1 : i32
        %get3A_625 = arith.index_cast %get3A_624 : i32 to index
        %get3A_626 = arith.index_cast %scan3A_609 : i32 to index
        %get3A_627 = arith.constant 16 : index
        %get3A_628 = tpu.vector_load %arg6[%get3A_625, %get3A_626, %get3A_627] {strides = array<i32>} : memref<3x200x128xf32, #tpu.memory_space<vmem>>, vector<1x1x16xf32>,
        %get3A_629 = vector.shape_cast %get3A_628 : vector<1x1x16xf32> to vector<16xf32>
        %add3A_630 = arith.addf %scan3A_611, %get3A_629 : vector<16xf32>
        %get3A_631 = arith.constant 1 : i32
        %get3A_632 = arith.index_cast %get3A_631 : i32 to index
        %get3A_633 = arith.index_cast %scan3A_609 : i32 to index
        %get3A_634 = arith.constant 32 : index
        %get3A_635 = tpu.vector_load %arg6[%get3A_632, %get3A_633, %get3A_634] {strides = array<i32>} : memref<3x200x128xf32, #tpu.memory_space<vmem>>, vector<1x1x16xf32>,
        %get3A_636 = vector.shape_cast %get3A_635 : vector<1x1x16xf32> to vector<16xf32>
        %add3A_637 = arith.addf %scan3A_612, %get3A_636 : vector<16xf32>
        %get3A_638 = arith.constant 1 : i32
        %get3A_639 = arith.index_cast %get3A_638 : i32 to index
        %get3A_640 = arith.index_cast %scan3A_609 : i32 to index
        %get3A_641 = arith.constant 48 : index
        %get3A_642 = tpu.vector_load %arg6[%get3A_639, %get3A_640, %get3A_641] {strides = array<i32>} : memref<3x200x128xf32, #tpu.memory_space<vmem>>, vector<1x1x16xf32>,
        %get3A_643 = vector.shape_cast %get3A_642 : vector<1x1x16xf32> to vector<16xf32>
        %add3A_644 = arith.addf %scan3A_613, %get3A_643 : vector<16xf32>
        %get3A_645 = arith.constant 1 : i32
        %get3A_646 = arith.index_cast %get3A_645 : i32 to index
        %get3A_647 = arith.index_cast %scan3A_609 : i32 to index
        %get3A_648 = arith.constant 64 : index
        %get3A_649 = tpu.vector_load %arg6[%get3A_646, %get3A_647, %get3A_648] {strides = array<i32>} : memref<3x200x128xf32, #tpu.memory_space<vmem>>, vector<1x1x16xf32>,
        %get3A_650 = vector.shape_cast %get3A_649 : vector<1x1x16xf32> to vector<16xf32>
        %add3A_651 = arith.addf %scan3A_614, %get3A_650 : vector<16xf32>
        %get3A_652 = arith.constant 1 : i32
        %get3A_653 = arith.index_cast %get3A_652 : i32 to index
        %get3A_654 = arith.index_cast %scan3A_609 : i32 to index
        %get3A_655 = arith.constant 80 : index
        %get3A_656 = tpu.vector_load %arg6[%get3A_653, %get3A_654, %get3A_655] {strides = array<i32>} : memref<3x200x128xf32, #tpu.memory_space<vmem>>, vector<1x1x16xf32>,
        %get3A_657 = vector.shape_cast %get3A_656 : vector<1x1x16xf32> to vector<16xf32>
        %add3A_658 = arith.addf %scan3A_615, %get3A_657 : vector<16xf32>
        %get3A_659 = arith.constant 1 : i32
        %get3A_660 = arith.index_cast %get3A_659 : i32 to index
        %get3A_661 = arith.index_cast %scan3A_609 : i32 to index
        %get3A_662 = arith.constant 96 : index
        %get3A_663 = tpu.vector_load %arg6[%get3A_660, %get3A_661, %get3A_662] {strides = array<i32>} : memref<3x200x128xf32, #tpu.memory_space<vmem>>, vector<1x1x16xf32>,
        %get3A_664 = vector.shape_cast %get3A_663 : vector<1x1x16xf32> to vector<16xf32>
        %add3A_665 = arith.addf %scan3A_616, %get3A_664 : vector<16xf32>
        %get3A_666 = arith.constant 1 : i32
        %get3A_667 = arith.index_cast %get3A_666 : i32 to index
        %get3A_668 = arith.index_cast %scan3A_609 : i32 to index
        %get3A_669 = arith.constant 112 : index
        %get3A_670 = tpu.vector_load %arg6[%get3A_667, %get3A_668, %get3A_669] {strides = array<i32>} : memref<3x200x128xf32, #tpu.memory_space<vmem>>, vector<1x1x16xf32>,
        %get3A_671 = vector.shape_cast %get3A_670 : vector<1x1x16xf32> to vector<16xf32>
        %add3A_672 = arith.addf %scan3A_617, %get3A_671 : vector<16xf32>
        scf.yield %add3A_623, %add3A_630, %add3A_637, %add3A_644, %add3A_651, %add3A_658, %add3A_665, %add3A_672 : vector<16xf32>, vector<16xf32>, vector<16xf32>, vector<16xf32>, vector<16xf32>, vector<16xf32>, vector<16xf32>, vector<16xf32>
      }
      %scan3A_419 = arith.constant 128 : i32
      %add3A_420 = arith.constant 3 : i32
      %add3A_421 = arith.addi %add3A_376, %add3A_420 : i32
      %lt3A_422 = arith.constant 128 : i32
      %lt3A_423 = arith.cmpi slt, %add3A_421, %lt3A_422 : i32
      %convert_element_type3A_424 = arith.extui %lt3A_423 : i1 to i32
      %cond3A_425 = arith.constant 1 : i32
      %cond3A_426 = arith.constant 0 : i32
      %cond3A_427 = arith.cmpi ne, %convert_element_type3A_424, %cond3A_426 : i32
      scf.if %cond3A_427 {
        %dma_start3A_609 = arith.constant 0 : i32
        %dma_start3A_610 = arith.constant 0 : i32
        %dma_start3A_611 = tpu.memref_slice %arg6[%cond3A_425, %dma_start3A_609, %dma_start3A_610] : memref<3x200x128xf32, #tpu.memory_space<vmem>> -> memref<1x128x128xf32, #tpu.memory_space<vmem>>
        %dma_start3A_612 = tpu.memref_squeeze %dma_start3A_611 : memref<1x128x128xf32, #tpu.memory_space<vmem>> -> memref<128x128xf32, #tpu.memory_space<vmem>>
        %dma_start3A_613 = tpu.memref_slice %arg5[%mul3A_386] : memref<25600xi32, #tpu.memory_space<vmem>> -> memref<128xi32, #tpu.memory_space<vmem>>
        %dma_start3A_614 = arith.constant 0 : i32
        %dma_start3A_615 = arith.constant 0 : i32
        %dma_start3A_616 = tpu.memref_slice %arg3[%dma_start3A_614, %dma_start3A_615] : memref<1000000x128xf32, #tpu.memory_space<hbm>> -> memref<1000000x128xf32, #tpu.memory_space<hbm>>
        tpu.enqueue_indirect_dma source(%dma_start3A_616 : memref<1000000x128xf32, #tpu.memory_space<hbm>>) target(%dma_start3A_612 : memref<128x128xf32, #tpu.memory_space<vmem>>) offsets(%dma_start3A_613 : memref<128xi32, #tpu.memory_space<vmem>>) semaphore(%arg10 : memref<!tpu.dma_semaphore, #tpu.memory_space<semaphore_mem>>)
      } else {
      }
      %dma_wait3A_428 = arith.constant 1 : i32
      %dma_wait3A_429 = arith.constant 128 : i32
      %dma_wait3A_430 = arith.constant 0 : i32
      %dma_wait3A_431 = tpu.memref_slice %arg6[%dma_wait3A_428, %dma_wait3A_429, %dma_wait3A_430] : memref<3x200x128xf32, #tpu.memory_space<vmem>> -> memref<1x72x128xf32, #tpu.memory_space<vmem>>
      %dma_wait3A_432 = tpu.memref_squeeze %dma_wait3A_431 : memref<1x72x128xf32, #tpu.memory_space<vmem>> -> memref<72x128xf32, #tpu.memory_space<vmem>>
      %dma_wait3A_433 = tpu.memref_slice %arg5[%add3A_380] : memref<25600xi32, #tpu.memory_space<vmem>> -> memref<72xi32, #tpu.memory_space<vmem>>
      %dma_wait3A_434 = arith.constant 0 : i32
      %dma_wait3A_435 = arith.constant 0 : i32
      %dma_wait3A_436 = tpu.memref_slice %arg3[%dma_wait3A_434, %dma_wait3A_435] : memref<1000000x128xf32, #tpu.memory_space<hbm>> -> memref<1000000x128xf32, #tpu.memory_space<hbm>>
      tpu.wait_indirect_dma semaphore(%arg11 : memref<!tpu.dma_semaphore, #tpu.memory_space<semaphore_mem>>) src(%dma_wait3A_436 : memref<1000000x128xf32, #tpu.memory_space<hbm>>) dst(%dma_wait3A_432 : memref<72x128xf32, #tpu.memory_space<vmem>>)
      %scan3A_437 = arith.constant 128 : i32
      %scan3A_438 = arith.constant 72 : i32
      %scan3A_439 = arith.addi %scan3A_437, %scan3A_438 : i32
      %scan3A_440 = arith.constant 1 : i32
      %scan3A_441:8 = scf.for %scan3A_609 = %scan3A_437 to %scan3A_439 step %scan3A_440 iter_args(%scan3A_610 = %scan3A_418#0, %scan3A_611 = %scan3A_418#1, %scan3A_612 = %scan3A_418#2, %scan3A_613 = %scan3A_418#3, %scan3A_614 = %scan3A_418#4, %scan3A_615 = %scan3A_418#5, %scan3A_616 = %scan3A_418#6, %scan3A_617 = %scan3A_418#7) -> (vector<16xf32>, vector<16xf32>, vector<16xf32>, vector<16xf32>, vector<16xf32>, vector<16xf32>, vector<16xf32>, vector<16xf32>)  : i32 {
        %get3A = arith.constant 1 : i32
        %get3A_618 = arith.index_cast %get3A : i32 to index
        %get3A_619 = arith.index_cast %scan3A_609 : i32 to index
        %get3A_620 = arith.constant 0 : index
        %get3A_621 = tpu.vector_load %arg6[%get3A_618, %get3A_619, %get3A_620] {strides = array<i32>} : memref<3x200x128xf32, #tpu.memory_space<vmem>>, vector<1x1x16xf32>,
        %get3A_622 = vector.shape_cast %get3A_621 : vector<1x1x16xf32> to vector<16xf32>
        %add3A_623 = arith.addf %scan3A_610, %get3A_622 : vector<16xf32>
        %get3A_624 = arith.constant 1 : i32
        %get3A_625 = arith.index_cast %get3A_624 : i32 to index
        %get3A_626 = arith.index_cast %scan3A_609 : i32 to index
        %get3A_627 = arith.constant 16 : index
        %get3A_628 = tpu.vector_load %arg6[%get3A_625, %get3A_626, %get3A_627] {strides = array<i32>} : memref<3x200x128xf32, #tpu.memory_space<vmem>>, vector<1x1x16xf32>,
        %get3A_629 = vector.shape_cast %get3A_628 : vector<1x1x16xf32> to vector<16xf32>
        %add3A_630 = arith.addf %scan3A_611, %get3A_629 : vector<16xf32>
        %get3A_631 = arith.constant 1 : i32
        %get3A_632 = arith.index_cast %get3A_631 : i32 to index
        %get3A_633 = arith.index_cast %scan3A_609 : i32 to index
        %get3A_634 = arith.constant 32 : index
        %get3A_635 = tpu.vector_load %arg6[%get3A_632, %get3A_633, %get3A_634] {strides = array<i32>} : memref<3x200x128xf32, #tpu.memory_space<vmem>>, vector<1x1x16xf32>,
        %get3A_636 = vector.shape_cast %get3A_635 : vector<1x1x16xf32> to vector<16xf32>
        %add3A_637 = arith.addf %scan3A_612, %get3A_636 : vector<16xf32>
        %get3A_638 = arith.constant 1 : i32
        %get3A_639 = arith.index_cast %get3A_638 : i32 to index
        %get3A_640 = arith.index_cast %scan3A_609 : i32 to index
        %get3A_641 = arith.constant 48 : index
        %get3A_642 = tpu.vector_load %arg6[%get3A_639, %get3A_640, %get3A_641] {strides = array<i32>} : memref<3x200x128xf32, #tpu.memory_space<vmem>>, vector<1x1x16xf32>,
        %get3A_643 = vector.shape_cast %get3A_642 : vector<1x1x16xf32> to vector<16xf32>
        %add3A_644 = arith.addf %scan3A_613, %get3A_643 : vector<16xf32>
        %get3A_645 = arith.constant 1 : i32
        %get3A_646 = arith.index_cast %get3A_645 : i32 to index
        %get3A_647 = arith.index_cast %scan3A_609 : i32 to index
        %get3A_648 = arith.constant 64 : index
        %get3A_649 = tpu.vector_load %arg6[%get3A_646, %get3A_647, %get3A_648] {strides = array<i32>} : memref<3x200x128xf32, #tpu.memory_space<vmem>>, vector<1x1x16xf32>,
        %get3A_650 = vector.shape_cast %get3A_649 : vector<1x1x16xf32> to vector<16xf32>
        %add3A_651 = arith.addf %scan3A_614, %get3A_650 : vector<16xf32>
        %get3A_652 = arith.constant 1 : i32
        %get3A_653 = arith.index_cast %get3A_652 : i32 to index
        %get3A_654 = arith.index_cast %scan3A_609 : i32 to index
        %get3A_655 = arith.constant 80 : index
        %get3A_656 = tpu.vector_load %arg6[%get3A_653, %get3A_654, %get3A_655] {strides = array<i32>} : memref<3x200x128xf32, #tpu.memory_space<vmem>>, vector<1x1x16xf32>,
        %get3A_657 = vector.shape_cast %get3A_656 : vector<1x1x16xf32> to vector<16xf32>
        %add3A_658 = arith.addf %scan3A_615, %get3A_657 : vector<16xf32>
        %get3A_659 = arith.constant 1 : i32
        %get3A_660 = arith.index_cast %get3A_659 : i32 to index
        %get3A_661 = arith.index_cast %scan3A_609 : i32 to index
        %get3A_662 = arith.constant 96 : index
        %get3A_663 = tpu.vector_load %arg6[%get3A_660, %get3A_661, %get3A_662] {strides = array<i32>} : memref<3x200x128xf32, #tpu.memory_space<vmem>>, vector<1x1x16xf32>,
        %get3A_664 = vector.shape_cast %get3A_663 : vector<1x1x16xf32> to vector<16xf32>
        %add3A_665 = arith.addf %scan3A_616, %get3A_664 : vector<16xf32>
        %get3A_666 = arith.constant 1 : i32
        %get3A_667 = arith.index_cast %get3A_666 : i32 to index
        %get3A_668 = arith.index_cast %scan3A_609 : i32 to index
        %get3A_669 = arith.constant 112 : index
        %get3A_670 = tpu.vector_load %arg6[%get3A_667, %get3A_668, %get3A_669] {strides = array<i32>} : memref<3x200x128xf32, #tpu.memory_space<vmem>>, vector<1x1x16xf32>,
        %get3A_671 = vector.shape_cast %get3A_670 : vector<1x1x16xf32> to vector<16xf32>
        %add3A_672 = arith.addf %scan3A_617, %get3A_671 : vector<16xf32>
        scf.yield %add3A_623, %add3A_630, %add3A_637, %add3A_644, %add3A_651, %add3A_658, %add3A_665, %add3A_672 : vector<16xf32>, vector<16xf32>, vector<16xf32>, vector<16xf32>, vector<16xf32>, vector<16xf32>, vector<16xf32>, vector<16xf32>
      }
      %scan3A_442 = arith.constant 72 : i32
      %add3A_443 = arith.constant 3 : i32
      %add3A_444 = arith.addi %add3A_376, %add3A_443 : i32
      %lt3A_445 = arith.constant 128 : i32
      %lt3A_446 = arith.cmpi slt, %add3A_444, %lt3A_445 : i32
      %convert_element_type3A_447 = arith.extui %lt3A_446 : i1 to i32
      %cond3A_448 = arith.constant 1 : i32
      %cond3A_449 = arith.constant 0 : i32
      %cond3A_450 = arith.cmpi ne, %convert_element_type3A_447, %cond3A_449 : i32
      scf.if %cond3A_450 {
        %dma_start3A_609 = arith.constant 128 : i32
        %dma_start3A_610 = arith.constant 0 : i32
        %dma_start3A_611 = tpu.memref_slice %arg6[%cond3A_448, %dma_start3A_609, %dma_start3A_610] : memref<3x200x128xf32, #tpu.memory_space<vmem>> -> memref<1x72x128xf32, #tpu.memory_space<vmem>>
        %dma_start3A_612 = tpu.memref_squeeze %dma_start3A_611 : memref<1x72x128xf32, #tpu.memory_space<vmem>> -> memref<72x128xf32, #tpu.memory_space<vmem>>
        %dma_start3A_613 = tpu.memref_slice %arg5[%add3A_388] : memref<25600xi32, #tpu.memory_space<vmem>> -> memref<72xi32, #tpu.memory_space<vmem>>
        %dma_start3A_614 = arith.constant 0 : i32
        %dma_start3A_615 = arith.constant 0 : i32
        %dma_start3A_616 = tpu.memref_slice %arg3[%dma_start3A_614, %dma_start3A_615] : memref<1000000x128xf32, #tpu.memory_space<hbm>> -> memref<1000000x128xf32, #tpu.memory_space<hbm>>
        tpu.enqueue_indirect_dma source(%dma_start3A_616 : memref<1000000x128xf32, #tpu.memory_space<hbm>>) target(%dma_start3A_612 : memref<72x128xf32, #tpu.memory_space<vmem>>) offsets(%dma_start3A_613 : memref<72xi32, #tpu.memory_space<vmem>>) semaphore(%arg11 : memref<!tpu.dma_semaphore, #tpu.memory_space<semaphore_mem>>)
      } else {
      }
      %swap3A_451 = arith.index_cast %add3A_376 : i32 to index
      %swap3A_452 = arith.constant 0 : index
      %swap3A_453 = tpu.vector_load %arg7[%swap3A_451, %swap3A_452] {strides = array<i32>} : memref<128x128xf32, #tpu.memory_space<vmem>>, vector<1x16xf32>,
      %swap3A_454 = vector.shape_cast %swap3A_453 : vector<1x16xf32> to vector<16xf32>
      %swap3A_455 = vector.shape_cast %scan3A_441#0 : vector<16xf32> to vector<1x16xf32>
      tpu.vector_store %arg7[%swap3A_451, %swap3A_452], %swap3A_455 {strides = array<i32>} : memref<128x128xf32, #tpu.memory_space<vmem>>, vector<1x16xf32>,
      %swap3A_456 = arith.index_cast %add3A_376 : i32 to index
      %swap3A_457 = arith.constant 16 : index
      %swap3A_458 = tpu.vector_load %arg7[%swap3A_456, %swap3A_457] {strides = array<i32>} : memref<128x128xf32, #tpu.memory_space<vmem>>, vector<1x16xf32>,
      %swap3A_459 = vector.shape_cast %swap3A_458 : vector<1x16xf32> to vector<16xf32>
      %swap3A_460 = vector.shape_cast %scan3A_441#1 : vector<16xf32> to vector<1x16xf32>
      tpu.vector_store %arg7[%swap3A_456, %swap3A_457], %swap3A_460 {strides = array<i32>} : memref<128x128xf32, #tpu.memory_space<vmem>>, vector<1x16xf32>,
      %swap3A_461 = arith.index_cast %add3A_376 : i32 to index
      %swap3A_462 = arith.constant 32 : index
      %swap3A_463 = tpu.vector_load %arg7[%swap3A_461, %swap3A_462] {strides = array<i32>} : memref<128x128xf32, #tpu.memory_space<vmem>>, vector<1x16xf32>,
      %swap3A_464 = vector.shape_cast %swap3A_463 : vector<1x16xf32> to vector<16xf32>
      %swap3A_465 = vector.shape_cast %scan3A_441#2 : vector<16xf32> to vector<1x16xf32>
      tpu.vector_store %arg7[%swap3A_461, %swap3A_462], %swap3A_465 {strides = array<i32>} : memref<128x128xf32, #tpu.memory_space<vmem>>, vector<1x16xf32>,
      %swap3A_466 = arith.index_cast %add3A_376 : i32 to index
      %swap3A_467 = arith.constant 48 : index
      %swap3A_468 = tpu.vector_load %arg7[%swap3A_466, %swap3A_467] {strides = array<i32>} : memref<128x128xf32, #tpu.memory_space<vmem>>, vector<1x16xf32>,
      %swap3A_469 = vector.shape_cast %swap3A_468 : vector<1x16xf32> to vector<16xf32>
      %swap3A_470 = vector.shape_cast %scan3A_441#3 : vector<16xf32> to vector<1x16xf32>
      tpu.vector_store %arg7[%swap3A_466, %swap3A_467], %swap3A_470 {strides = array<i32>} : memref<128x128xf32, #tpu.memory_space<vmem>>, vector<1x16xf32>,
      %swap3A_471 = arith.index_cast %add3A_376 : i32 to index
      %swap3A_472 = arith.constant 64 : index
      %swap3A_473 = tpu.vector_load %arg7[%swap3A_471, %swap3A_472] {strides = array<i32>} : memref<128x128xf32, #tpu.memory_space<vmem>>, vector<1x16xf32>,
      %swap3A_474 = vector.shape_cast %swap3A_473 : vector<1x16xf32> to vector<16xf32>
      %swap3A_475 = vector.shape_cast %scan3A_441#4 : vector<16xf32> to vector<1x16xf32>
      tpu.vector_store %arg7[%swap3A_471, %swap3A_472], %swap3A_475 {strides = array<i32>} : memref<128x128xf32, #tpu.memory_space<vmem>>, vector<1x16xf32>,
      %swap3A_476 = arith.index_cast %add3A_376 : i32 to index
      %swap3A_477 = arith.constant 80 : index
      %swap3A_478 = tpu.vector_load %arg7[%swap3A_476, %swap3A_477] {strides = array<i32>} : memref<128x128xf32, #tpu.memory_space<vmem>>, vector<1x16xf32>,
      %swap3A_479 = vector.shape_cast %swap3A_478 : vector<1x16xf32> to vector<16xf32>
      %swap3A_480 = vector.shape_cast %scan3A_441#5 : vector<16xf32> to vector<1x16xf32>
      tpu.vector_store %arg7[%swap3A_476, %swap3A_477], %swap3A_480 {strides = array<i32>} : memref<128x128xf32, #tpu.memory_space<vmem>>, vector<1x16xf32>,
      %swap3A_481 = arith.index_cast %add3A_376 : i32 to index
      %swap3A_482 = arith.constant 96 : index
      %swap3A_483 = tpu.vector_load %arg7[%swap3A_481, %swap3A_482] {strides = array<i32>} : memref<128x128xf32, #tpu.memory_space<vmem>>, vector<1x16xf32>,
      %swap3A_484 = vector.shape_cast %swap3A_483 : vector<1x16xf32> to vector<16xf32>
      %swap3A_485 = vector.shape_cast %scan3A_441#6 : vector<16xf32> to vector<1x16xf32>
      tpu.vector_store %arg7[%swap3A_481, %swap3A_482], %swap3A_485 {strides = array<i32>} : memref<128x128xf32, #tpu.memory_space<vmem>>, vector<1x16xf32>,
      %swap3A_486 = arith.index_cast %add3A_376 : i32 to index
      %swap3A_487 = arith.constant 112 : index
      %swap3A_488 = tpu.vector_load %arg7[%swap3A_486, %swap3A_487] {strides = array<i32>} : memref<128x128xf32, #tpu.memory_space<vmem>>, vector<1x16xf32>,
      %swap3A_489 = vector.shape_cast %swap3A_488 : vector<1x16xf32> to vector<16xf32>
      %swap3A_490 = vector.shape_cast %scan3A_441#7 : vector<16xf32> to vector<1x16xf32>
      tpu.vector_store %arg7[%swap3A_486, %swap3A_487], %swap3A_490 {strides = array<i32>} : memref<128x128xf32, #tpu.memory_space<vmem>>, vector<1x16xf32>,
      %mul3A_491 = arith.constant 3 : i32
      %mul3A_492 = arith.muli %scan3A_258, %mul3A_491 : i32
      %add3A_493 = arith.constant 2 : i32
      %add3A_494 = arith.addi %mul3A_492, %add3A_493 : i32
      %mul3A_495 = arith.constant 200 : i32
      %mul3A_496 = arith.muli %add3A_494, %mul3A_495 : i32
      %add3A_497 = arith.constant 128 : i32
      %add3A_498 = arith.addi %mul3A_496, %add3A_497 : i32
      %add3A_499 = arith.constant 3 : i32
      %add3A_500 = arith.addi %add3A_494, %add3A_499 : i32
      %min3A_501 = arith.constant 127 : i32
      %min3A_502 = arith.minsi %add3A_500, %min3A_501 : i32
      %mul3A_503 = arith.constant 200 : i32
      %mul3A_504 = arith.muli %min3A_502, %mul3A_503 : i32
      %add3A_505 = arith.constant 128 : i32
      %add3A_506 = arith.addi %mul3A_504, %add3A_505 : i32
      %broadcast_in_dim3A_507 = arith.constant 0.000000e+00 : f32
      %broadcast_in_dim3A_508 = vector.broadcast %broadcast_in_dim3A_507 : f32 to vector<16xf32>
      %broadcast_in_dim3A_509 = arith.constant 0.000000e+00 : f32
      %broadcast_in_dim3A_510 = vector.broadcast %broadcast_in_dim3A_509 : f32 to vector<16xf32>
      %broadcast_in_dim3A_511 = arith.constant 0.000000e+00 : f32
      %broadcast_in_dim3A_512 = vector.broadcast %broadcast_in_dim3A_511 : f32 to vector<16xf32>
      %broadcast_in_dim3A_513 = arith.constant 0.000000e+00 : f32
      %broadcast_in_dim3A_514 = vector.broadcast %broadcast_in_dim3A_513 : f32 to vector<16xf32>
      %broadcast_in_dim3A_515 = arith.constant 0.000000e+00 : f32
      %broadcast_in_dim3A_516 = vector.broadcast %broadcast_in_dim3A_515 : f32 to vector<16xf32>
      %broadcast_in_dim3A_517 = arith.constant 0.000000e+00 : f32
      %broadcast_in_dim3A_518 = vector.broadcast %broadcast_in_dim3A_517 : f32 to vector<16xf32>
      %broadcast_in_dim3A_519 = arith.constant 0.000000e+00 : f32
      %broadcast_in_dim3A_520 = vector.broadcast %broadcast_in_dim3A_519 : f32 to vector<16xf32>
      %broadcast_in_dim3A_521 = arith.constant 0.000000e+00 : f32
      %broadcast_in_dim3A_522 = vector.broadcast %broadcast_in_dim3A_521 : f32 to vector<16xf32>
      %dma_wait3A_523 = arith.constant 2 : i32
      %dma_wait3A_524 = arith.constant 0 : i32
      %dma_wait3A_525 = arith.constant 0 : i32
      %dma_wait3A_526 = tpu.memref_slice %arg6[%dma_wait3A_523, %dma_wait3A_524, %dma_wait3A_525] : memref<3x200x128xf32, #tpu.memory_space<vmem>> -> memref<1x128x128xf32, #tpu.memory_space<vmem>>
      %dma_wait3A_527 = tpu.memref_squeeze %dma_wait3A_526 : memref<1x128x128xf32, #tpu.memory_space<vmem>> -> memref<128x128xf32, #tpu.memory_space<vmem>>
      %dma_wait3A_528 = tpu.memref_slice %arg5[%mul3A_496] : memref<25600xi32, #tpu.memory_space<vmem>> -> memref<128xi32, #tpu.memory_space<vmem>>
      %dma_wait3A_529 = arith.constant 0 : i32
      %dma_wait3A_530 = arith.constant 0 : i32
      %dma_wait3A_531 = tpu.memref_slice %arg3[%dma_wait3A_529, %dma_wait3A_530] : memref<1000000x128xf32, #tpu.memory_space<hbm>> -> memref<1000000x128xf32, #tpu.memory_space<hbm>>
      tpu.wait_indirect_dma semaphore(%arg12 : memref<!tpu.dma_semaphore, #tpu.memory_space<semaphore_mem>>) src(%dma_wait3A_531 : memref<1000000x128xf32, #tpu.memory_space<hbm>>) dst(%dma_wait3A_527 : memref<128x128xf32, #tpu.memory_space<vmem>>)
      %scan3A_532 = arith.constant 0 : i32
      %scan3A_533 = arith.constant 128 : i32
      %scan3A_534 = arith.addi %scan3A_532, %scan3A_533 : i32
      %scan3A_535 = arith.constant 1 : i32
      %scan3A_536:8 = scf.for %scan3A_609 = %scan3A_532 to %scan3A_534 step %scan3A_535 iter_args(%scan3A_610 = %broadcast_in_dim3A_508, %scan3A_611 = %broadcast_in_dim3A_510, %scan3A_612 = %broadcast_in_dim3A_512, %scan3A_613 = %broadcast_in_dim3A_514, %scan3A_614 = %broadcast_in_dim3A_516, %scan3A_615 = %broadcast_in_dim3A_518, %scan3A_616 = %broadcast_in_dim3A_520, %scan3A_617 = %broadcast_in_dim3A_522) -> (vector<16xf32>, vector<16xf32>, vector<16xf32>, vector<16xf32>, vector<16xf32>, vector<16xf32>, vector<16xf32>, vector<16xf32>)  : i32 {
        %get3A = arith.constant 2 : i32
        %get3A_618 = arith.index_cast %get3A : i32 to index
        %get3A_619 = arith.index_cast %scan3A_609 : i32 to index
        %get3A_620 = arith.constant 0 : index
        %get3A_621 = tpu.vector_load %arg6[%get3A_618, %get3A_619, %get3A_620] {strides = array<i32>} : memref<3x200x128xf32, #tpu.memory_space<vmem>>, vector<1x1x16xf32>,
        %get3A_622 = vector.shape_cast %get3A_621 : vector<1x1x16xf32> to vector<16xf32>
        %add3A_623 = arith.addf %scan3A_610, %get3A_622 : vector<16xf32>
        %get3A_624 = arith.constant 2 : i32
        %get3A_625 = arith.index_cast %get3A_624 : i32 to index
        %get3A_626 = arith.index_cast %scan3A_609 : i32 to index
        %get3A_627 = arith.constant 16 : index
        %get3A_628 = tpu.vector_load %arg6[%get3A_625, %get3A_626, %get3A_627] {strides = array<i32>} : memref<3x200x128xf32, #tpu.memory_space<vmem>>, vector<1x1x16xf32>,
        %get3A_629 = vector.shape_cast %get3A_628 : vector<1x1x16xf32> to vector<16xf32>
        %add3A_630 = arith.addf %scan3A_611, %get3A_629 : vector<16xf32>
        %get3A_631 = arith.constant 2 : i32
        %get3A_632 = arith.index_cast %get3A_631 : i32 to index
        %get3A_633 = arith.index_cast %scan3A_609 : i32 to index
        %get3A_634 = arith.constant 32 : index
        %get3A_635 = tpu.vector_load %arg6[%get3A_632, %get3A_633, %get3A_634] {strides = array<i32>} : memref<3x200x128xf32, #tpu.memory_space<vmem>>, vector<1x1x16xf32>,
        %get3A_636 = vector.shape_cast %get3A_635 : vector<1x1x16xf32> to vector<16xf32>
        %add3A_637 = arith.addf %scan3A_612, %get3A_636 : vector<16xf32>
        %get3A_638 = arith.constant 2 : i32
        %get3A_639 = arith.index_cast %get3A_638 : i32 to index
        %get3A_640 = arith.index_cast %scan3A_609 : i32 to index
        %get3A_641 = arith.constant 48 : index
        %get3A_642 = tpu.vector_load %arg6[%get3A_639, %get3A_640, %get3A_641] {strides = array<i32>} : memref<3x200x128xf32, #tpu.memory_space<vmem>>, vector<1x1x16xf32>,
        %get3A_643 = vector.shape_cast %get3A_642 : vector<1x1x16xf32> to vector<16xf32>
        %add3A_644 = arith.addf %scan3A_613, %get3A_643 : vector<16xf32>
        %get3A_645 = arith.constant 2 : i32
        %get3A_646 = arith.index_cast %get3A_645 : i32 to index
        %get3A_647 = arith.index_cast %scan3A_609 : i32 to index
        %get3A_648 = arith.constant 64 : index
        %get3A_649 = tpu.vector_load %arg6[%get3A_646, %get3A_647, %get3A_648] {strides = array<i32>} : memref<3x200x128xf32, #tpu.memory_space<vmem>>, vector<1x1x16xf32>,
        %get3A_650 = vector.shape_cast %get3A_649 : vector<1x1x16xf32> to vector<16xf32>
        %add3A_651 = arith.addf %scan3A_614, %get3A_650 : vector<16xf32>
        %get3A_652 = arith.constant 2 : i32
        %get3A_653 = arith.index_cast %get3A_652 : i32 to index
        %get3A_654 = arith.index_cast %scan3A_609 : i32 to index
        %get3A_655 = arith.constant 80 : index
        %get3A_656 = tpu.vector_load %arg6[%get3A_653, %get3A_654, %get3A_655] {strides = array<i32>} : memref<3x200x128xf32, #tpu.memory_space<vmem>>, vector<1x1x16xf32>,
        %get3A_657 = vector.shape_cast %get3A_656 : vector<1x1x16xf32> to vector<16xf32>
        %add3A_658 = arith.addf %scan3A_615, %get3A_657 : vector<16xf32>
        %get3A_659 = arith.constant 2 : i32
        %get3A_660 = arith.index_cast %get3A_659 : i32 to index
        %get3A_661 = arith.index_cast %scan3A_609 : i32 to index
        %get3A_662 = arith.constant 96 : index
        %get3A_663 = tpu.vector_load %arg6[%get3A_660, %get3A_661, %get3A_662] {strides = array<i32>} : memref<3x200x128xf32, #tpu.memory_space<vmem>>, vector<1x1x16xf32>,
        %get3A_664 = vector.shape_cast %get3A_663 : vector<1x1x16xf32> to vector<16xf32>
        %add3A_665 = arith.addf %scan3A_616, %get3A_664 : vector<16xf32>
        %get3A_666 = arith.constant 2 : i32
        %get3A_667 = arith.index_cast %get3A_666 : i32 to index
        %get3A_668 = arith.index_cast %scan3A_609 : i32 to index
        %get3A_669 = arith.constant 112 : index
        %get3A_670 = tpu.vector_load %arg6[%get3A_667, %get3A_668, %get3A_669] {strides = array<i32>} : memref<3x200x128xf32, #tpu.memory_space<vmem>>, vector<1x1x16xf32>,
        %get3A_671 = vector.shape_cast %get3A_670 : vector<1x1x16xf32> to vector<16xf32>
        %add3A_672 = arith.addf %scan3A_617, %get3A_671 : vector<16xf32>
        scf.yield %add3A_623, %add3A_630, %add3A_637, %add3A_644, %add3A_651, %add3A_658, %add3A_665, %add3A_672 : vector<16xf32>, vector<16xf32>, vector<16xf32>, vector<16xf32>, vector<16xf32>, vector<16xf32>, vector<16xf32>, vector<16xf32>
      }
      %scan3A_537 = arith.constant 128 : i32
      %add3A_538 = arith.constant 3 : i32
      %add3A_539 = arith.addi %add3A_494, %add3A_538 : i32
      %lt3A_540 = arith.constant 128 : i32
      %lt3A_541 = arith.cmpi slt, %add3A_539, %lt3A_540 : i32
      %convert_element_type3A_542 = arith.extui %lt3A_541 : i1 to i32
      %cond3A_543 = arith.constant 2 : i32
      %cond3A_544 = arith.constant 0 : i32
      %cond3A_545 = arith.cmpi ne, %convert_element_type3A_542, %cond3A_544 : i32
      scf.if %cond3A_545 {
        %dma_start3A_609 = arith.constant 0 : i32
        %dma_start3A_610 = arith.constant 0 : i32
        %dma_start3A_611 = tpu.memref_slice %arg6[%cond3A_543, %dma_start3A_609, %dma_start3A_610] : memref<3x200x128xf32, #tpu.memory_space<vmem>> -> memref<1x128x128xf32, #tpu.memory_space<vmem>>
        %dma_start3A_612 = tpu.memref_squeeze %dma_start3A_611 : memref<1x128x128xf32, #tpu.memory_space<vmem>> -> memref<128x128xf32, #tpu.memory_space<vmem>>
        %dma_start3A_613 = tpu.memref_slice %arg5[%mul3A_504] : memref<25600xi32, #tpu.memory_space<vmem>> -> memref<128xi32, #tpu.memory_space<vmem>>
        %dma_start3A_614 = arith.constant 0 : i32
        %dma_start3A_615 = arith.constant 0 : i32
        %dma_start3A_616 = tpu.memref_slice %arg3[%dma_start3A_614, %dma_start3A_615] : memref<1000000x128xf32, #tpu.memory_space<hbm>> -> memref<1000000x128xf32, #tpu.memory_space<hbm>>
        tpu.enqueue_indirect_dma source(%dma_start3A_616 : memref<1000000x128xf32, #tpu.memory_space<hbm>>) target(%dma_start3A_612 : memref<128x128xf32, #tpu.memory_space<vmem>>) offsets(%dma_start3A_613 : memref<128xi32, #tpu.memory_space<vmem>>) semaphore(%arg12 : memref<!tpu.dma_semaphore, #tpu.memory_space<semaphore_mem>>)
      } else {
      }
      %dma_wait3A_546 = arith.constant 2 : i32
      %dma_wait3A_547 = arith.constant 128 : i32
      %dma_wait3A_548 = arith.constant 0 : i32
      %dma_wait3A_549 = tpu.memref_slice %arg6[%dma_wait3A_546, %dma_wait3A_547, %dma_wait3A_548] : memref<3x200x128xf32, #tpu.memory_space<vmem>> -> memref<1x72x128xf32, #tpu.memory_space<vmem>>
      %dma_wait3A_550 = tpu.memref_squeeze %dma_wait3A_549 : memref<1x72x128xf32, #tpu.memory_space<vmem>> -> memref<72x128xf32, #tpu.memory_space<vmem>>
      %dma_wait3A_551 = tpu.memref_slice %arg5[%add3A_498] : memref<25600xi32, #tpu.memory_space<vmem>> -> memref<72xi32, #tpu.memory_space<vmem>>
      %dma_wait3A_552 = arith.constant 0 : i32
      %dma_wait3A_553 = arith.constant 0 : i32
      %dma_wait3A_554 = tpu.memref_slice %arg3[%dma_wait3A_552, %dma_wait3A_553] : memref<1000000x128xf32, #tpu.memory_space<hbm>> -> memref<1000000x128xf32, #tpu.memory_space<hbm>>
      tpu.wait_indirect_dma semaphore(%arg13 : memref<!tpu.dma_semaphore, #tpu.memory_space<semaphore_mem>>) src(%dma_wait3A_554 : memref<1000000x128xf32, #tpu.memory_space<hbm>>) dst(%dma_wait3A_550 : memref<72x128xf32, #tpu.memory_space<vmem>>)
      %scan3A_555 = arith.constant 128 : i32
      %scan3A_556 = arith.constant 72 : i32
      %scan3A_557 = arith.addi %scan3A_555, %scan3A_556 : i32
      %scan3A_558 = arith.constant 1 : i32
      %scan3A_559:8 = scf.for %scan3A_609 = %scan3A_555 to %scan3A_557 step %scan3A_558 iter_args(%scan3A_610 = %scan3A_536#0, %scan3A_611 = %scan3A_536#1, %scan3A_612 = %scan3A_536#2, %scan3A_613 = %scan3A_536#3, %scan3A_614 = %scan3A_536#4, %scan3A_615 = %scan3A_536#5, %scan3A_616 = %scan3A_536#6, %scan3A_617 = %scan3A_536#7) -> (vector<16xf32>, vector<16xf32>, vector<16xf32>, vector<16xf32>, vector<16xf32>, vector<16xf32>, vector<16xf32>, vector<16xf32>)  : i32 {
        %get3A = arith.constant 2 : i32
        %get3A_618 = arith.index_cast %get3A : i32 to index
        %get3A_619 = arith.index_cast %scan3A_609 : i32 to index
        %get3A_620 = arith.constant 0 : index
        %get3A_621 = tpu.vector_load %arg6[%get3A_618, %get3A_619, %get3A_620] {strides = array<i32>} : memref<3x200x128xf32, #tpu.memory_space<vmem>>, vector<1x1x16xf32>,
        %get3A_622 = vector.shape_cast %get3A_621 : vector<1x1x16xf32> to vector<16xf32>
        %add3A_623 = arith.addf %scan3A_610, %get3A_622 : vector<16xf32>
        %get3A_624 = arith.constant 2 : i32
        %get3A_625 = arith.index_cast %get3A_624 : i32 to index
        %get3A_626 = arith.index_cast %scan3A_609 : i32 to index
        %get3A_627 = arith.constant 16 : index
        %get3A_628 = tpu.vector_load %arg6[%get3A_625, %get3A_626, %get3A_627] {strides = array<i32>} : memref<3x200x128xf32, #tpu.memory_space<vmem>>, vector<1x1x16xf32>,
        %get3A_629 = vector.shape_cast %get3A_628 : vector<1x1x16xf32> to vector<16xf32>
        %add3A_630 = arith.addf %scan3A_611, %get3A_629 : vector<16xf32>
        %get3A_631 = arith.constant 2 : i32
        %get3A_632 = arith.index_cast %get3A_631 : i32 to index
        %get3A_633 = arith.index_cast %scan3A_609 : i32 to index
        %get3A_634 = arith.constant 32 : index
        %get3A_635 = tpu.vector_load %arg6[%get3A_632, %get3A_633, %get3A_634] {strides = array<i32>} : memref<3x200x128xf32, #tpu.memory_space<vmem>>, vector<1x1x16xf32>,
        %get3A_636 = vector.shape_cast %get3A_635 : vector<1x1x16xf32> to vector<16xf32>
        %add3A_637 = arith.addf %scan3A_612, %get3A_636 : vector<16xf32>
        %get3A_638 = arith.constant 2 : i32
        %get3A_639 = arith.index_cast %get3A_638 : i32 to index
        %get3A_640 = arith.index_cast %scan3A_609 : i32 to index
        %get3A_641 = arith.constant 48 : index
        %get3A_642 = tpu.vector_load %arg6[%get3A_639, %get3A_640, %get3A_641] {strides = array<i32>} : memref<3x200x128xf32, #tpu.memory_space<vmem>>, vector<1x1x16xf32>,
        %get3A_643 = vector.shape_cast %get3A_642 : vector<1x1x16xf32> to vector<16xf32>
        %add3A_644 = arith.addf %scan3A_613, %get3A_643 : vector<16xf32>
        %get3A_645 = arith.constant 2 : i32
        %get3A_646 = arith.index_cast %get3A_645 : i32 to index
        %get3A_647 = arith.index_cast %scan3A_609 : i32 to index
        %get3A_648 = arith.constant 64 : index
        %get3A_649 = tpu.vector_load %arg6[%get3A_646, %get3A_647, %get3A_648] {strides = array<i32>} : memref<3x200x128xf32, #tpu.memory_space<vmem>>, vector<1x1x16xf32>,
        %get3A_650 = vector.shape_cast %get3A_649 : vector<1x1x16xf32> to vector<16xf32>
        %add3A_651 = arith.addf %scan3A_614, %get3A_650 : vector<16xf32>
        %get3A_652 = arith.constant 2 : i32
        %get3A_653 = arith.index_cast %get3A_652 : i32 to index
        %get3A_654 = arith.index_cast %scan3A_609 : i32 to index
        %get3A_655 = arith.constant 80 : index
        %get3A_656 = tpu.vector_load %arg6[%get3A_653, %get3A_654, %get3A_655] {strides = array<i32>} : memref<3x200x128xf32, #tpu.memory_space<vmem>>, vector<1x1x16xf32>,
        %get3A_657 = vector.shape_cast %get3A_656 : vector<1x1x16xf32> to vector<16xf32>
        %add3A_658 = arith.addf %scan3A_615, %get3A_657 : vector<16xf32>
        %get3A_659 = arith.constant 2 : i32
        %get3A_660 = arith.index_cast %get3A_659 : i32 to index
        %get3A_661 = arith.index_cast %scan3A_609 : i32 to index
        %get3A_662 = arith.constant 96 : index
        %get3A_663 = tpu.vector_load %arg6[%get3A_660, %get3A_661, %get3A_662] {strides = array<i32>} : memref<3x200x128xf32, #tpu.memory_space<vmem>>, vector<1x1x16xf32>,
        %get3A_664 = vector.shape_cast %get3A_663 : vector<1x1x16xf32> to vector<16xf32>
        %add3A_665 = arith.addf %scan3A_616, %get3A_664 : vector<16xf32>
        %get3A_666 = arith.constant 2 : i32
        %get3A_667 = arith.index_cast %get3A_666 : i32 to index
        %get3A_668 = arith.index_cast %scan3A_609 : i32 to index
        %get3A_669 = arith.constant 112 : index
        %get3A_670 = tpu.vector_load %arg6[%get3A_667, %get3A_668, %get3A_669] {strides = array<i32>} : memref<3x200x128xf32, #tpu.memory_space<vmem>>, vector<1x1x16xf32>,
        %get3A_671 = vector.shape_cast %get3A_670 : vector<1x1x16xf32> to vector<16xf32>
        %add3A_672 = arith.addf %scan3A_617, %get3A_671 : vector<16xf32>
        scf.yield %add3A_623, %add3A_630, %add3A_637, %add3A_644, %add3A_651, %add3A_658, %add3A_665, %add3A_672 : vector<16xf32>, vector<16xf32>, vector<16xf32>, vector<16xf32>, vector<16xf32>, vector<16xf32>, vector<16xf32>, vector<16xf32>
      }
      %scan3A_560 = arith.constant 72 : i32
      %add3A_561 = arith.constant 3 : i32
      %add3A_562 = arith.addi %add3A_494, %add3A_561 : i32
      %lt3A_563 = arith.constant 128 : i32
      %lt3A_564 = arith.cmpi slt, %add3A_562, %lt3A_563 : i32
      %convert_element_type3A_565 = arith.extui %lt3A_564 : i1 to i32
      %cond3A_566 = arith.constant 2 : i32
      %cond3A_567 = arith.constant 0 : i32
      %cond3A_568 = arith.cmpi ne, %convert_element_type3A_565, %cond3A_567 : i32
      scf.if %cond3A_568 {
        %dma_start3A_609 = arith.constant 128 : i32
        %dma_start3A_610 = arith.constant 0 : i32
        %dma_start3A_611 = tpu.memref_slice %arg6[%cond3A_566, %dma_start3A_609, %dma_start3A_610] : memref<3x200x128xf32, #tpu.memory_space<vmem>> -> memref<1x72x128xf32, #tpu.memory_space<vmem>>
        %dma_start3A_612 = tpu.memref_squeeze %dma_start3A_611 : memref<1x72x128xf32, #tpu.memory_space<vmem>> -> memref<72x128xf32, #tpu.memory_space<vmem>>
        %dma_start3A_613 = tpu.memref_slice %arg5[%add3A_506] : memref<25600xi32, #tpu.memory_space<vmem>> -> memref<72xi32, #tpu.memory_space<vmem>>
        %dma_start3A_614 = arith.constant 0 : i32
        %dma_start3A_615 = arith.constant 0 : i32
        %dma_start3A_616 = tpu.memref_slice %arg3[%dma_start3A_614, %dma_start3A_615] : memref<1000000x128xf32, #tpu.memory_space<hbm>> -> memref<1000000x128xf32, #tpu.memory_space<hbm>>
        tpu.enqueue_indirect_dma source(%dma_start3A_616 : memref<1000000x128xf32, #tpu.memory_space<hbm>>) target(%dma_start3A_612 : memref<72x128xf32, #tpu.memory_space<vmem>>) offsets(%dma_start3A_613 : memref<72xi32, #tpu.memory_space<vmem>>) semaphore(%arg13 : memref<!tpu.dma_semaphore, #tpu.memory_space<semaphore_mem>>)
      } else {
      }
      %swap3A_569 = arith.index_cast %add3A_494 : i32 to index
      %swap3A_570 = arith.constant 0 : index
      %swap3A_571 = tpu.vector_load %arg7[%swap3A_569, %swap3A_570] {strides = array<i32>} : memref<128x128xf32, #tpu.memory_space<vmem>>, vector<1x16xf32>,
      %swap3A_572 = vector.shape_cast %swap3A_571 : vector<1x16xf32> to vector<16xf32>
      %swap3A_573 = vector.shape_cast %scan3A_559#0 : vector<16xf32> to vector<1x16xf32>
      tpu.vector_store %arg7[%swap3A_569, %swap3A_570], %swap3A_573 {strides = array<i32>} : memref<128x128xf32, #tpu.memory_space<vmem>>, vector<1x16xf32>,
      %swap3A_574 = arith.index_cast %add3A_494 : i32 to index
      %swap3A_575 = arith.constant 16 : index
      %swap3A_576 = tpu.vector_load %arg7[%swap3A_574, %swap3A_575] {strides = array<i32>} : memref<128x128xf32, #tpu.memory_space<vmem>>, vector<1x16xf32>,
      %swap3A_577 = vector.shape_cast %swap3A_576 : vector<1x16xf32> to vector<16xf32>
      %swap3A_578 = vector.shape_cast %scan3A_559#1 : vector<16xf32> to vector<1x16xf32>
      tpu.vector_store %arg7[%swap3A_574, %swap3A_575], %swap3A_578 {strides = array<i32>} : memref<128x128xf32, #tpu.memory_space<vmem>>, vector<1x16xf32>,
      %swap3A_579 = arith.index_cast %add3A_494 : i32 to index
      %swap3A_580 = arith.constant 32 : index
      %swap3A_581 = tpu.vector_load %arg7[%swap3A_579, %swap3A_580] {strides = array<i32>} : memref<128x128xf32, #tpu.memory_space<vmem>>, vector<1x16xf32>,
      %swap3A_582 = vector.shape_cast %swap3A_581 : vector<1x16xf32> to vector<16xf32>
      %swap3A_583 = vector.shape_cast %scan3A_559#2 : vector<16xf32> to vector<1x16xf32>
      tpu.vector_store %arg7[%swap3A_579, %swap3A_580], %swap3A_583 {strides = array<i32>} : memref<128x128xf32, #tpu.memory_space<vmem>>, vector<1x16xf32>,
      %swap3A_584 = arith.index_cast %add3A_494 : i32 to index
      %swap3A_585 = arith.constant 48 : index
      %swap3A_586 = tpu.vector_load %arg7[%swap3A_584, %swap3A_585] {strides = array<i32>} : memref<128x128xf32, #tpu.memory_space<vmem>>, vector<1x16xf32>,
      %swap3A_587 = vector.shape_cast %swap3A_586 : vector<1x16xf32> to vector<16xf32>
      %swap3A_588 = vector.shape_cast %scan3A_559#3 : vector<16xf32> to vector<1x16xf32>
      tpu.vector_store %arg7[%swap3A_584, %swap3A_585], %swap3A_588 {strides = array<i32>} : memref<128x128xf32, #tpu.memory_space<vmem>>, vector<1x16xf32>,
      %swap3A_589 = arith.index_cast %add3A_494 : i32 to index
      %swap3A_590 = arith.constant 64 : index
      %swap3A_591 = tpu.vector_load %arg7[%swap3A_589, %swap3A_590] {strides = array<i32>} : memref<128x128xf32, #tpu.memory_space<vmem>>, vector<1x16xf32>,
      %swap3A_592 = vector.shape_cast %swap3A_591 : vector<1x16xf32> to vector<16xf32>
      %swap3A_593 = vector.shape_cast %scan3A_559#4 : vector<16xf32> to vector<1x16xf32>
      tpu.vector_store %arg7[%swap3A_589, %swap3A_590], %swap3A_593 {strides = array<i32>} : memref<128x128xf32, #tpu.memory_space<vmem>>, vector<1x16xf32>,
      %swap3A_594 = arith.index_cast %add3A_494 : i32 to index
      %swap3A_595 = arith.constant 80 : index
      %swap3A_596 = tpu.vector_load %arg7[%swap3A_594, %swap3A_595] {strides = array<i32>} : memref<128x128xf32, #tpu.memory_space<vmem>>, vector<1x16xf32>,
      %swap3A_597 = vector.shape_cast %swap3A_596 : vector<1x16xf32> to vector<16xf32>
      %swap3A_598 = vector.shape_cast %scan3A_559#5 : vector<16xf32> to vector<1x16xf32>
      tpu.vector_store %arg7[%swap3A_594, %swap3A_595], %swap3A_598 {strides = array<i32>} : memref<128x128xf32, #tpu.memory_space<vmem>>, vector<1x16xf32>,
      %swap3A_599 = arith.index_cast %add3A_494 : i32 to index
      %swap3A_600 = arith.constant 96 : index
      %swap3A_601 = tpu.vector_load %arg7[%swap3A_599, %swap3A_600] {strides = array<i32>} : memref<128x128xf32, #tpu.memory_space<vmem>>, vector<1x16xf32>,
      %swap3A_602 = vector.shape_cast %swap3A_601 : vector<1x16xf32> to vector<16xf32>
      %swap3A_603 = vector.shape_cast %scan3A_559#6 : vector<16xf32> to vector<1x16xf32>
      tpu.vector_store %arg7[%swap3A_599, %swap3A_600], %swap3A_603 {strides = array<i32>} : memref<128x128xf32, #tpu.memory_space<vmem>>, vector<1x16xf32>,
      %swap3A_604 = arith.index_cast %add3A_494 : i32 to index
      %swap3A_605 = arith.constant 112 : index
      %swap3A_606 = tpu.vector_load %arg7[%swap3A_604, %swap3A_605] {strides = array<i32>} : memref<128x128xf32, #tpu.memory_space<vmem>>, vector<1x16xf32>,
      %swap3A_607 = vector.shape_cast %swap3A_606 : vector<1x16xf32> to vector<16xf32>
      %swap3A_608 = vector.shape_cast %scan3A_559#7 : vector<16xf32> to vector<1x16xf32>
      tpu.vector_store %arg7[%swap3A_604, %swap3A_605], %swap3A_608 {strides = array<i32>} : memref<128x128xf32, #tpu.memory_space<vmem>>, vector<1x16xf32>,
    }
    %scan3A_68 = arith.constant 42 : i32
    %broadcast_in_dim3A = arith.constant 0.000000e+00 : f32
    %broadcast_in_dim3A_69 = vector.broadcast %broadcast_in_dim3A : f32 to vector<16xf32>
    %broadcast_in_dim3A_70 = arith.constant 0.000000e+00 : f32
    %broadcast_in_dim3A_71 = vector.broadcast %broadcast_in_dim3A_70 : f32 to vector<16xf32>
    %broadcast_in_dim3A_72 = arith.constant 0.000000e+00 : f32
    %broadcast_in_dim3A_73 = vector.broadcast %broadcast_in_dim3A_72 : f32 to vector<16xf32>
    %broadcast_in_dim3A_74 = arith.constant 0.000000e+00 : f32
    %broadcast_in_dim3A_75 = vector.broadcast %broadcast_in_dim3A_74 : f32 to vector<16xf32>
    %broadcast_in_dim3A_76 = arith.constant 0.000000e+00 : f32
    %broadcast_in_dim3A_77 = vector.broadcast %broadcast_in_dim3A_76 : f32 to vector<16xf32>
    %broadcast_in_dim3A_78 = arith.constant 0.000000e+00 : f32
    %broadcast_in_dim3A_79 = vector.broadcast %broadcast_in_dim3A_78 : f32 to vector<16xf32>
    %broadcast_in_dim3A_80 = arith.constant 0.000000e+00 : f32
    %broadcast_in_dim3A_81 = vector.broadcast %broadcast_in_dim3A_80 : f32 to vector<16xf32>
    %broadcast_in_dim3A_82 = arith.constant 0.000000e+00 : f32
    %broadcast_in_dim3A_83 = vector.broadcast %broadcast_in_dim3A_82 : f32 to vector<16xf32>
    %dma_wait3A = arith.constant 0 : i32
    %dma_wait3A_84 = arith.constant 0 : i32
    %dma_wait3A_85 = arith.constant 0 : i32
    %dma_wait3A_86 = tpu.memref_slice %arg6[%dma_wait3A, %dma_wait3A_84, %dma_wait3A_85] : memref<3x200x128xf32, #tpu.memory_space<vmem>> -> memref<1x128x128xf32, #tpu.memory_space<vmem>>
    %dma_wait3A_87 = tpu.memref_squeeze %dma_wait3A_86 : memref<1x128x128xf32, #tpu.memory_space<vmem>> -> memref<128x128xf32, #tpu.memory_space<vmem>>
    %dma_wait3A_88 = arith.constant 25200 : i32
    %dma_wait3A_89 = tpu.memref_slice %arg5[%dma_wait3A_88] : memref<25600xi32, #tpu.memory_space<vmem>> -> memref<128xi32, #tpu.memory_space<vmem>>
    %dma_wait3A_90 = arith.constant 0 : i32
    %dma_wait3A_91 = arith.constant 0 : i32
    %dma_wait3A_92 = tpu.memref_slice %arg3[%dma_wait3A_90, %dma_wait3A_91] : memref<1000000x128xf32, #tpu.memory_space<hbm>> -> memref<1000000x128xf32, #tpu.memory_space<hbm>>
    tpu.wait_indirect_dma semaphore(%arg8 : memref<!tpu.dma_semaphore, #tpu.memory_space<semaphore_mem>>) src(%dma_wait3A_92 : memref<1000000x128xf32, #tpu.memory_space<hbm>>) dst(%dma_wait3A_87 : memref<128x128xf32, #tpu.memory_space<vmem>>)
    %scan3A_93 = arith.constant 0 : i32
    %scan3A_94 = arith.constant 128 : i32
    %scan3A_95 = arith.addi %scan3A_93, %scan3A_94 : i32
    %scan3A_96 = arith.constant 1 : i32
    %scan3A_97:8 = scf.for %scan3A_258 = %scan3A_93 to %scan3A_95 step %scan3A_96 iter_args(%scan3A_259 = %broadcast_in_dim3A_69, %scan3A_260 = %broadcast_in_dim3A_71, %scan3A_261 = %broadcast_in_dim3A_73, %scan3A_262 = %broadcast_in_dim3A_75, %scan3A_263 = %broadcast_in_dim3A_77, %scan3A_264 = %broadcast_in_dim3A_79, %scan3A_265 = %broadcast_in_dim3A_81, %scan3A_266 = %broadcast_in_dim3A_83) -> (vector<16xf32>, vector<16xf32>, vector<16xf32>, vector<16xf32>, vector<16xf32>, vector<16xf32>, vector<16xf32>, vector<16xf32>)  : i32 {
      %get3A = arith.constant 0 : i32
      %get3A_267 = arith.index_cast %get3A : i32 to index
      %get3A_268 = arith.index_cast %scan3A_258 : i32 to index
      %get3A_269 = arith.constant 0 : index
      %get3A_270 = tpu.vector_load %arg6[%get3A_267, %get3A_268, %get3A_269] {strides = array<i32>} : memref<3x200x128xf32, #tpu.memory_space<vmem>>, vector<1x1x16xf32>,
      %get3A_271 = vector.shape_cast %get3A_270 : vector<1x1x16xf32> to vector<16xf32>
      %add3A_272 = arith.addf %scan3A_259, %get3A_271 : vector<16xf32>
      %get3A_273 = arith.constant 0 : i32
      %get3A_274 = arith.index_cast %get3A_273 : i32 to index
      %get3A_275 = arith.index_cast %scan3A_258 : i32 to index
      %get3A_276 = arith.constant 16 : index
      %get3A_277 = tpu.vector_load %arg6[%get3A_274, %get3A_275, %get3A_276] {strides = array<i32>} : memref<3x200x128xf32, #tpu.memory_space<vmem>>, vector<1x1x16xf32>,
      %get3A_278 = vector.shape_cast %get3A_277 : vector<1x1x16xf32> to vector<16xf32>
      %add3A_279 = arith.addf %scan3A_260, %get3A_278 : vector<16xf32>
      %get3A_280 = arith.constant 0 : i32
      %get3A_281 = arith.index_cast %get3A_280 : i32 to index
      %get3A_282 = arith.index_cast %scan3A_258 : i32 to index
      %get3A_283 = arith.constant 32 : index
      %get3A_284 = tpu.vector_load %arg6[%get3A_281, %get3A_282, %get3A_283] {strides = array<i32>} : memref<3x200x128xf32, #tpu.memory_space<vmem>>, vector<1x1x16xf32>,
      %get3A_285 = vector.shape_cast %get3A_284 : vector<1x1x16xf32> to vector<16xf32>
      %add3A_286 = arith.addf %scan3A_261, %get3A_285 : vector<16xf32>
      %get3A_287 = arith.constant 0 : i32
      %get3A_288 = arith.index_cast %get3A_287 : i32 to index
      %get3A_289 = arith.index_cast %scan3A_258 : i32 to index
      %get3A_290 = arith.constant 48 : index
      %get3A_291 = tpu.vector_load %arg6[%get3A_288, %get3A_289, %get3A_290] {strides = array<i32>} : memref<3x200x128xf32, #tpu.memory_space<vmem>>, vector<1x1x16xf32>,
      %get3A_292 = vector.shape_cast %get3A_291 : vector<1x1x16xf32> to vector<16xf32>
      %add3A_293 = arith.addf %scan3A_262, %get3A_292 : vector<16xf32>
      %get3A_294 = arith.constant 0 : i32
      %get3A_295 = arith.index_cast %get3A_294 : i32 to index
      %get3A_296 = arith.index_cast %scan3A_258 : i32 to index
      %get3A_297 = arith.constant 64 : index
      %get3A_298 = tpu.vector_load %arg6[%get3A_295, %get3A_296, %get3A_297] {strides = array<i32>} : memref<3x200x128xf32, #tpu.memory_space<vmem>>, vector<1x1x16xf32>,
      %get3A_299 = vector.shape_cast %get3A_298 : vector<1x1x16xf32> to vector<16xf32>
      %add3A_300 = arith.addf %scan3A_263, %get3A_299 : vector<16xf32>
      %get3A_301 = arith.constant 0 : i32
      %get3A_302 = arith.index_cast %get3A_301 : i32 to index
      %get3A_303 = arith.index_cast %scan3A_258 : i32 to index
      %get3A_304 = arith.constant 80 : index
      %get3A_305 = tpu.vector_load %arg6[%get3A_302, %get3A_303, %get3A_304] {strides = array<i32>} : memref<3x200x128xf32, #tpu.memory_space<vmem>>, vector<1x1x16xf32>,
      %get3A_306 = vector.shape_cast %get3A_305 : vector<1x1x16xf32> to vector<16xf32>
      %add3A_307 = arith.addf %scan3A_264, %get3A_306 : vector<16xf32>
      %get3A_308 = arith.constant 0 : i32
      %get3A_309 = arith.index_cast %get3A_308 : i32 to index
      %get3A_310 = arith.index_cast %scan3A_258 : i32 to index
      %get3A_311 = arith.constant 96 : index
      %get3A_312 = tpu.vector_load %arg6[%get3A_309, %get3A_310, %get3A_311] {strides = array<i32>} : memref<3x200x128xf32, #tpu.memory_space<vmem>>, vector<1x1x16xf32>,
      %get3A_313 = vector.shape_cast %get3A_312 : vector<1x1x16xf32> to vector<16xf32>
      %add3A_314 = arith.addf %scan3A_265, %get3A_313 : vector<16xf32>
      %get3A_315 = arith.constant 0 : i32
      %get3A_316 = arith.index_cast %get3A_315 : i32 to index
      %get3A_317 = arith.index_cast %scan3A_258 : i32 to index
      %get3A_318 = arith.constant 112 : index
      %get3A_319 = tpu.vector_load %arg6[%get3A_316, %get3A_317, %get3A_318] {strides = array<i32>} : memref<3x200x128xf32, #tpu.memory_space<vmem>>, vector<1x1x16xf32>,
      %get3A_320 = vector.shape_cast %get3A_319 : vector<1x1x16xf32> to vector<16xf32>
      %add3A_321 = arith.addf %scan3A_266, %get3A_320 : vector<16xf32>
      scf.yield %add3A_272, %add3A_279, %add3A_286, %add3A_293, %add3A_300, %add3A_307, %add3A_314, %add3A_321 : vector<16xf32>, vector<16xf32>, vector<16xf32>, vector<16xf32>, vector<16xf32>, vector<16xf32>, vector<16xf32>, vector<16xf32>
    }
    %scan3A_98 = arith.constant 128 : i32
    %dma_wait3A_99 = arith.constant 0 : i32
    %dma_wait3A_100 = arith.constant 128 : i32
    %dma_wait3A_101 = arith.constant 0 : i32
    %dma_wait3A_102 = tpu.memref_slice %arg6[%dma_wait3A_99, %dma_wait3A_100, %dma_wait3A_101] : memref<3x200x128xf32, #tpu.memory_space<vmem>> -> memref<1x72x128xf32, #tpu.memory_space<vmem>>
    %dma_wait3A_103 = tpu.memref_squeeze %dma_wait3A_102 : memref<1x72x128xf32, #tpu.memory_space<vmem>> -> memref<72x128xf32, #tpu.memory_space<vmem>>
    %dma_wait3A_104 = arith.constant 25328 : i32
    %dma_wait3A_105 = tpu.memref_slice %arg5[%dma_wait3A_104] : memref<25600xi32, #tpu.memory_space<vmem>> -> memref<72xi32, #tpu.memory_space<vmem>>
    %dma_wait3A_106 = arith.constant 0 : i32
    %dma_wait3A_107 = arith.constant 0 : i32
    %dma_wait3A_108 = tpu.memref_slice %arg3[%dma_wait3A_106, %dma_wait3A_107] : memref<1000000x128xf32, #tpu.memory_space<hbm>> -> memref<1000000x128xf32, #tpu.memory_space<hbm>>
    tpu.wait_indirect_dma semaphore(%arg9 : memref<!tpu.dma_semaphore, #tpu.memory_space<semaphore_mem>>) src(%dma_wait3A_108 : memref<1000000x128xf32, #tpu.memory_space<hbm>>) dst(%dma_wait3A_103 : memref<72x128xf32, #tpu.memory_space<vmem>>)
    %scan3A_109 = arith.constant 128 : i32
    %scan3A_110 = arith.constant 72 : i32
    %scan3A_111 = arith.addi %scan3A_109, %scan3A_110 : i32
    %scan3A_112 = arith.constant 1 : i32
    %scan3A_113:8 = scf.for %scan3A_258 = %scan3A_109 to %scan3A_111 step %scan3A_112 iter_args(%scan3A_259 = %scan3A_97#0, %scan3A_260 = %scan3A_97#1, %scan3A_261 = %scan3A_97#2, %scan3A_262 = %scan3A_97#3, %scan3A_263 = %scan3A_97#4, %scan3A_264 = %scan3A_97#5, %scan3A_265 = %scan3A_97#6, %scan3A_266 = %scan3A_97#7) -> (vector<16xf32>, vector<16xf32>, vector<16xf32>, vector<16xf32>, vector<16xf32>, vector<16xf32>, vector<16xf32>, vector<16xf32>)  : i32 {
      %get3A = arith.constant 0 : i32
      %get3A_267 = arith.index_cast %get3A : i32 to index
      %get3A_268 = arith.index_cast %scan3A_258 : i32 to index
      %get3A_269 = arith.constant 0 : index
      %get3A_270 = tpu.vector_load %arg6[%get3A_267, %get3A_268, %get3A_269] {strides = array<i32>} : memref<3x200x128xf32, #tpu.memory_space<vmem>>, vector<1x1x16xf32>,
      %get3A_271 = vector.shape_cast %get3A_270 : vector<1x1x16xf32> to vector<16xf32>
      %add3A_272 = arith.addf %scan3A_259, %get3A_271 : vector<16xf32>
      %get3A_273 = arith.constant 0 : i32
      %get3A_274 = arith.index_cast %get3A_273 : i32 to index
      %get3A_275 = arith.index_cast %scan3A_258 : i32 to index
      %get3A_276 = arith.constant 16 : index
      %get3A_277 = tpu.vector_load %arg6[%get3A_274, %get3A_275, %get3A_276] {strides = array<i32>} : memref<3x200x128xf32, #tpu.memory_space<vmem>>, vector<1x1x16xf32>,
      %get3A_278 = vector.shape_cast %get3A_277 : vector<1x1x16xf32> to vector<16xf32>
      %add3A_279 = arith.addf %scan3A_260, %get3A_278 : vector<16xf32>
      %get3A_280 = arith.constant 0 : i32
      %get3A_281 = arith.index_cast %get3A_280 : i32 to index
      %get3A_282 = arith.index_cast %scan3A_258 : i32 to index
      %get3A_283 = arith.constant 32 : index
      %get3A_284 = tpu.vector_load %arg6[%get3A_281, %get3A_282, %get3A_283] {strides = array<i32>} : memref<3x200x128xf32, #tpu.memory_space<vmem>>, vector<1x1x16xf32>,
      %get3A_285 = vector.shape_cast %get3A_284 : vector<1x1x16xf32> to vector<16xf32>
      %add3A_286 = arith.addf %scan3A_261, %get3A_285 : vector<16xf32>
      %get3A_287 = arith.constant 0 : i32
      %get3A_288 = arith.index_cast %get3A_287 : i32 to index
      %get3A_289 = arith.index_cast %scan3A_258 : i32 to index
      %get3A_290 = arith.constant 48 : index
      %get3A_291 = tpu.vector_load %arg6[%get3A_288, %get3A_289, %get3A_290] {strides = array<i32>} : memref<3x200x128xf32, #tpu.memory_space<vmem>>, vector<1x1x16xf32>,
      %get3A_292 = vector.shape_cast %get3A_291 : vector<1x1x16xf32> to vector<16xf32>
      %add3A_293 = arith.addf %scan3A_262, %get3A_292 : vector<16xf32>
      %get3A_294 = arith.constant 0 : i32
      %get3A_295 = arith.index_cast %get3A_294 : i32 to index
      %get3A_296 = arith.index_cast %scan3A_258 : i32 to index
      %get3A_297 = arith.constant 64 : index
      %get3A_298 = tpu.vector_load %arg6[%get3A_295, %get3A_296, %get3A_297] {strides = array<i32>} : memref<3x200x128xf32, #tpu.memory_space<vmem>>, vector<1x1x16xf32>,
      %get3A_299 = vector.shape_cast %get3A_298 : vector<1x1x16xf32> to vector<16xf32>
      %add3A_300 = arith.addf %scan3A_263, %get3A_299 : vector<16xf32>
      %get3A_301 = arith.constant 0 : i32
      %get3A_302 = arith.index_cast %get3A_301 : i32 to index
      %get3A_303 = arith.index_cast %scan3A_258 : i32 to index
      %get3A_304 = arith.constant 80 : index
      %get3A_305 = tpu.vector_load %arg6[%get3A_302, %get3A_303, %get3A_304] {strides = array<i32>} : memref<3x200x128xf32, #tpu.memory_space<vmem>>, vector<1x1x16xf32>,
      %get3A_306 = vector.shape_cast %get3A_305 : vector<1x1x16xf32> to vector<16xf32>
      %add3A_307 = arith.addf %scan3A_264, %get3A_306 : vector<16xf32>
      %get3A_308 = arith.constant 0 : i32
      %get3A_309 = arith.index_cast %get3A_308 : i32 to index
      %get3A_310 = arith.index_cast %scan3A_258 : i32 to index
      %get3A_311 = arith.constant 96 : index
      %get3A_312 = tpu.vector_load %arg6[%get3A_309, %get3A_310, %get3A_311] {strides = array<i32>} : memref<3x200x128xf32, #tpu.memory_space<vmem>>, vector<1x1x16xf32>,
      %get3A_313 = vector.shape_cast %get3A_312 : vector<1x1x16xf32> to vector<16xf32>
      %add3A_314 = arith.addf %scan3A_265, %get3A_313 : vector<16xf32>
      %get3A_315 = arith.constant 0 : i32
      %get3A_316 = arith.index_cast %get3A_315 : i32 to index
      %get3A_317 = arith.index_cast %scan3A_258 : i32 to index
      %get3A_318 = arith.constant 112 : index
      %get3A_319 = tpu.vector_load %arg6[%get3A_316, %get3A_317, %get3A_318] {strides = array<i32>} : memref<3x200x128xf32, #tpu.memory_space<vmem>>, vector<1x1x16xf32>,
      %get3A_320 = vector.shape_cast %get3A_319 : vector<1x1x16xf32> to vector<16xf32>
      %add3A_321 = arith.addf %scan3A_266, %get3A_320 : vector<16xf32>
      scf.yield %add3A_272, %add3A_279, %add3A_286, %add3A_293, %add3A_300, %add3A_307, %add3A_314, %add3A_321 : vector<16xf32>, vector<16xf32>, vector<16xf32>, vector<16xf32>, vector<16xf32>, vector<16xf32>, vector<16xf32>, vector<16xf32>
    }
    %scan3A_114 = arith.constant 72 : i32
    %swap3A = arith.constant 126 : i32
    %swap3A_115 = arith.index_cast %swap3A : i32 to index
    %swap3A_116 = arith.constant 0 : index
    %swap3A_117 = tpu.vector_load %arg7[%swap3A_115, %swap3A_116] {strides = array<i32>} : memref<128x128xf32, #tpu.memory_space<vmem>>, vector<1x16xf32>,
    %swap3A_118 = vector.shape_cast %swap3A_117 : vector<1x16xf32> to vector<16xf32>
    %swap3A_119 = vector.shape_cast %scan3A_113#0 : vector<16xf32> to vector<1x16xf32>
    tpu.vector_store %arg7[%swap3A_115, %swap3A_116], %swap3A_119 {strides = array<i32>} : memref<128x128xf32, #tpu.memory_space<vmem>>, vector<1x16xf32>,
    %swap3A_120 = arith.constant 126 : i32
    %swap3A_121 = arith.index_cast %swap3A_120 : i32 to index
    %swap3A_122 = arith.constant 16 : index
    %swap3A_123 = tpu.vector_load %arg7[%swap3A_121, %swap3A_122] {strides = array<i32>} : memref<128x128xf32, #tpu.memory_space<vmem>>, vector<1x16xf32>,
    %swap3A_124 = vector.shape_cast %swap3A_123 : vector<1x16xf32> to vector<16xf32>
    %swap3A_125 = vector.shape_cast %scan3A_113#1 : vector<16xf32> to vector<1x16xf32>
    tpu.vector_store %arg7[%swap3A_121, %swap3A_122], %swap3A_125 {strides = array<i32>} : memref<128x128xf32, #tpu.memory_space<vmem>>, vector<1x16xf32>,
    %swap3A_126 = arith.constant 126 : i32
    %swap3A_127 = arith.index_cast %swap3A_126 : i32 to index
    %swap3A_128 = arith.constant 32 : index
    %swap3A_129 = tpu.vector_load %arg7[%swap3A_127, %swap3A_128] {strides = array<i32>} : memref<128x128xf32, #tpu.memory_space<vmem>>, vector<1x16xf32>,
    %swap3A_130 = vector.shape_cast %swap3A_129 : vector<1x16xf32> to vector<16xf32>
    %swap3A_131 = vector.shape_cast %scan3A_113#2 : vector<16xf32> to vector<1x16xf32>
    tpu.vector_store %arg7[%swap3A_127, %swap3A_128], %swap3A_131 {strides = array<i32>} : memref<128x128xf32, #tpu.memory_space<vmem>>, vector<1x16xf32>,
    %swap3A_132 = arith.constant 126 : i32
    %swap3A_133 = arith.index_cast %swap3A_132 : i32 to index
    %swap3A_134 = arith.constant 48 : index
    %swap3A_135 = tpu.vector_load %arg7[%swap3A_133, %swap3A_134] {strides = array<i32>} : memref<128x128xf32, #tpu.memory_space<vmem>>, vector<1x16xf32>,
    %swap3A_136 = vector.shape_cast %swap3A_135 : vector<1x16xf32> to vector<16xf32>
    %swap3A_137 = vector.shape_cast %scan3A_113#3 : vector<16xf32> to vector<1x16xf32>
    tpu.vector_store %arg7[%swap3A_133, %swap3A_134], %swap3A_137 {strides = array<i32>} : memref<128x128xf32, #tpu.memory_space<vmem>>, vector<1x16xf32>,
    %swap3A_138 = arith.constant 126 : i32
    %swap3A_139 = arith.index_cast %swap3A_138 : i32 to index
    %swap3A_140 = arith.constant 64 : index
    %swap3A_141 = tpu.vector_load %arg7[%swap3A_139, %swap3A_140] {strides = array<i32>} : memref<128x128xf32, #tpu.memory_space<vmem>>, vector<1x16xf32>,
    %swap3A_142 = vector.shape_cast %swap3A_141 : vector<1x16xf32> to vector<16xf32>
    %swap3A_143 = vector.shape_cast %scan3A_113#4 : vector<16xf32> to vector<1x16xf32>
    tpu.vector_store %arg7[%swap3A_139, %swap3A_140], %swap3A_143 {strides = array<i32>} : memref<128x128xf32, #tpu.memory_space<vmem>>, vector<1x16xf32>,
    %swap3A_144 = arith.constant 126 : i32
    %swap3A_145 = arith.index_cast %swap3A_144 : i32 to index
    %swap3A_146 = arith.constant 80 : index
    %swap3A_147 = tpu.vector_load %arg7[%swap3A_145, %swap3A_146] {strides = array<i32>} : memref<128x128xf32, #tpu.memory_space<vmem>>, vector<1x16xf32>,
    %swap3A_148 = vector.shape_cast %swap3A_147 : vector<1x16xf32> to vector<16xf32>
    %swap3A_149 = vector.shape_cast %scan3A_113#5 : vector<16xf32> to vector<1x16xf32>
    tpu.vector_store %arg7[%swap3A_145, %swap3A_146], %swap3A_149 {strides = array<i32>} : memref<128x128xf32, #tpu.memory_space<vmem>>, vector<1x16xf32>,
    %swap3A_150 = arith.constant 126 : i32
    %swap3A_151 = arith.index_cast %swap3A_150 : i32 to index
    %swap3A_152 = arith.constant 96 : index
    %swap3A_153 = tpu.vector_load %arg7[%swap3A_151, %swap3A_152] {strides = array<i32>} : memref<128x128xf32, #tpu.memory_space<vmem>>, vector<1x16xf32>,
    %swap3A_154 = vector.shape_cast %swap3A_153 : vector<1x16xf32> to vector<16xf32>
    %swap3A_155 = vector.shape_cast %scan3A_113#6 : vector<16xf32> to vector<1x16xf32>
    tpu.vector_store %arg7[%swap3A_151, %swap3A_152], %swap3A_155 {strides = array<i32>} : memref<128x128xf32, #tpu.memory_space<vmem>>, vector<1x16xf32>,
    %swap3A_156 = arith.constant 126 : i32
    %swap3A_157 = arith.index_cast %swap3A_156 : i32 to index
    %swap3A_158 = arith.constant 112 : index
    %swap3A_159 = tpu.vector_load %arg7[%swap3A_157, %swap3A_158] {strides = array<i32>} : memref<128x128xf32, #tpu.memory_space<vmem>>, vector<1x16xf32>,
    %swap3A_160 = vector.shape_cast %swap3A_159 : vector<1x16xf32> to vector<16xf32>
    %swap3A_161 = vector.shape_cast %scan3A_113#7 : vector<16xf32> to vector<1x16xf32>
    tpu.vector_store %arg7[%swap3A_157, %swap3A_158], %swap3A_161 {strides = array<i32>} : memref<128x128xf32, #tpu.memory_space<vmem>>, vector<1x16xf32>,
    %broadcast_in_dim3A_162 = arith.constant 0.000000e+00 : f32
    %broadcast_in_dim3A_163 = vector.broadcast %broadcast_in_dim3A_162 : f32 to vector<16xf32>
    %broadcast_in_dim3A_164 = arith.constant 0.000000e+00 : f32
    %broadcast_in_dim3A_165 = vector.broadcast %broadcast_in_dim3A_164 : f32 to vector<16xf32>
    %broadcast_in_dim3A_166 = arith.constant 0.000000e+00 : f32
    %broadcast_in_dim3A_167 = vector.broadcast %broadcast_in_dim3A_166 : f32 to vector<16xf32>
    %broadcast_in_dim3A_168 = arith.constant 0.000000e+00 : f32
    %broadcast_in_dim3A_169 = vector.broadcast %broadcast_in_dim3A_168 : f32 to vector<16xf32>
    %broadcast_in_dim3A_170 = arith.constant 0.000000e+00 : f32
    %broadcast_in_dim3A_171 = vector.broadcast %broadcast_in_dim3A_170 : f32 to vector<16xf32>
    %broadcast_in_dim3A_172 = arith.constant 0.000000e+00 : f32
    %broadcast_in_dim3A_173 = vector.broadcast %broadcast_in_dim3A_172 : f32 to vector<16xf32>
    %broadcast_in_dim3A_174 = arith.constant 0.000000e+00 : f32
    %broadcast_in_dim3A_175 = vector.broadcast %broadcast_in_dim3A_174 : f32 to vector<16xf32>
    %broadcast_in_dim3A_176 = arith.constant 0.000000e+00 : f32
    %broadcast_in_dim3A_177 = vector.broadcast %broadcast_in_dim3A_176 : f32 to vector<16xf32>
    %dma_wait3A_178 = arith.constant 1 : i32
    %dma_wait3A_179 = arith.constant 0 : i32
    %dma_wait3A_180 = arith.constant 0 : i32
    %dma_wait3A_181 = tpu.memref_slice %arg6[%dma_wait3A_178, %dma_wait3A_179, %dma_wait3A_180] : memref<3x200x128xf32, #tpu.memory_space<vmem>> -> memref<1x128x128xf32, #tpu.memory_space<vmem>>
    %dma_wait3A_182 = tpu.memref_squeeze %dma_wait3A_181 : memref<1x128x128xf32, #tpu.memory_space<vmem>> -> memref<128x128xf32, #tpu.memory_space<vmem>>
    %dma_wait3A_183 = arith.constant 25400 : i32
    %dma_wait3A_184 = tpu.memref_slice %arg5[%dma_wait3A_183] : memref<25600xi32, #tpu.memory_space<vmem>> -> memref<128xi32, #tpu.memory_space<vmem>>
    %dma_wait3A_185 = arith.constant 0 : i32
    %dma_wait3A_186 = arith.constant 0 : i32
    %dma_wait3A_187 = tpu.memref_slice %arg3[%dma_wait3A_185, %dma_wait3A_186] : memref<1000000x128xf32, #tpu.memory_space<hbm>> -> memref<1000000x128xf32, #tpu.memory_space<hbm>>
    tpu.wait_indirect_dma semaphore(%arg10 : memref<!tpu.dma_semaphore, #tpu.memory_space<semaphore_mem>>) src(%dma_wait3A_187 : memref<1000000x128xf32, #tpu.memory_space<hbm>>) dst(%dma_wait3A_182 : memref<128x128xf32, #tpu.memory_space<vmem>>)
    %scan3A_188 = arith.constant 0 : i32
    %scan3A_189 = arith.constant 128 : i32
    %scan3A_190 = arith.addi %scan3A_188, %scan3A_189 : i32
    %scan3A_191 = arith.constant 1 : i32
    %scan3A_192:8 = scf.for %scan3A_258 = %scan3A_188 to %scan3A_190 step %scan3A_191 iter_args(%scan3A_259 = %broadcast_in_dim3A_163, %scan3A_260 = %broadcast_in_dim3A_165, %scan3A_261 = %broadcast_in_dim3A_167, %scan3A_262 = %broadcast_in_dim3A_169, %scan3A_263 = %broadcast_in_dim3A_171, %scan3A_264 = %broadcast_in_dim3A_173, %scan3A_265 = %broadcast_in_dim3A_175, %scan3A_266 = %broadcast_in_dim3A_177) -> (vector<16xf32>, vector<16xf32>, vector<16xf32>, vector<16xf32>, vector<16xf32>, vector<16xf32>, vector<16xf32>, vector<16xf32>)  : i32 {
      %get3A = arith.constant 1 : i32
      %get3A_267 = arith.index_cast %get3A : i32 to index
      %get3A_268 = arith.index_cast %scan3A_258 : i32 to index
      %get3A_269 = arith.constant 0 : index
      %get3A_270 = tpu.vector_load %arg6[%get3A_267, %get3A_268, %get3A_269] {strides = array<i32>} : memref<3x200x128xf32, #tpu.memory_space<vmem>>, vector<1x1x16xf32>,
      %get3A_271 = vector.shape_cast %get3A_270 : vector<1x1x16xf32> to vector<16xf32>
      %add3A_272 = arith.addf %scan3A_259, %get3A_271 : vector<16xf32>
      %get3A_273 = arith.constant 1 : i32
      %get3A_274 = arith.index_cast %get3A_273 : i32 to index
      %get3A_275 = arith.index_cast %scan3A_258 : i32 to index
      %get3A_276 = arith.constant 16 : index
      %get3A_277 = tpu.vector_load %arg6[%get3A_274, %get3A_275, %get3A_276] {strides = array<i32>} : memref<3x200x128xf32, #tpu.memory_space<vmem>>, vector<1x1x16xf32>,
      %get3A_278 = vector.shape_cast %get3A_277 : vector<1x1x16xf32> to vector<16xf32>
      %add3A_279 = arith.addf %scan3A_260, %get3A_278 : vector<16xf32>
      %get3A_280 = arith.constant 1 : i32
      %get3A_281 = arith.index_cast %get3A_280 : i32 to index
      %get3A_282 = arith.index_cast %scan3A_258 : i32 to index
      %get3A_283 = arith.constant 32 : index
      %get3A_284 = tpu.vector_load %arg6[%get3A_281, %get3A_282, %get3A_283] {strides = array<i32>} : memref<3x200x128xf32, #tpu.memory_space<vmem>>, vector<1x1x16xf32>,
      %get3A_285 = vector.shape_cast %get3A_284 : vector<1x1x16xf32> to vector<16xf32>
      %add3A_286 = arith.addf %scan3A_261, %get3A_285 : vector<16xf32>
      %get3A_287 = arith.constant 1 : i32
      %get3A_288 = arith.index_cast %get3A_287 : i32 to index
      %get3A_289 = arith.index_cast %scan3A_258 : i32 to index
      %get3A_290 = arith.constant 48 : index
      %get3A_291 = tpu.vector_load %arg6[%get3A_288, %get3A_289, %get3A_290] {strides = array<i32>} : memref<3x200x128xf32, #tpu.memory_space<vmem>>, vector<1x1x16xf32>,
      %get3A_292 = vector.shape_cast %get3A_291 : vector<1x1x16xf32> to vector<16xf32>
      %add3A_293 = arith.addf %scan3A_262, %get3A_292 : vector<16xf32>
      %get3A_294 = arith.constant 1 : i32
      %get3A_295 = arith.index_cast %get3A_294 : i32 to index
      %get3A_296 = arith.index_cast %scan3A_258 : i32 to index
      %get3A_297 = arith.constant 64 : index
      %get3A_298 = tpu.vector_load %arg6[%get3A_295, %get3A_296, %get3A_297] {strides = array<i32>} : memref<3x200x128xf32, #tpu.memory_space<vmem>>, vector<1x1x16xf32>,
      %get3A_299 = vector.shape_cast %get3A_298 : vector<1x1x16xf32> to vector<16xf32>
      %add3A_300 = arith.addf %scan3A_263, %get3A_299 : vector<16xf32>
      %get3A_301 = arith.constant 1 : i32
      %get3A_302 = arith.index_cast %get3A_301 : i32 to index
      %get3A_303 = arith.index_cast %scan3A_258 : i32 to index
      %get3A_304 = arith.constant 80 : index
      %get3A_305 = tpu.vector_load %arg6[%get3A_302, %get3A_303, %get3A_304] {strides = array<i32>} : memref<3x200x128xf32, #tpu.memory_space<vmem>>, vector<1x1x16xf32>,
      %get3A_306 = vector.shape_cast %get3A_305 : vector<1x1x16xf32> to vector<16xf32>
      %add3A_307 = arith.addf %scan3A_264, %get3A_306 : vector<16xf32>
      %get3A_308 = arith.constant 1 : i32
      %get3A_309 = arith.index_cast %get3A_308 : i32 to index
      %get3A_310 = arith.index_cast %scan3A_258 : i32 to index
      %get3A_311 = arith.constant 96 : index
      %get3A_312 = tpu.vector_load %arg6[%get3A_309, %get3A_310, %get3A_311] {strides = array<i32>} : memref<3x200x128xf32, #tpu.memory_space<vmem>>, vector<1x1x16xf32>,
      %get3A_313 = vector.shape_cast %get3A_312 : vector<1x1x16xf32> to vector<16xf32>
      %add3A_314 = arith.addf %scan3A_265, %get3A_313 : vector<16xf32>
      %get3A_315 = arith.constant 1 : i32
      %get3A_316 = arith.index_cast %get3A_315 : i32 to index
      %get3A_317 = arith.index_cast %scan3A_258 : i32 to index
      %get3A_318 = arith.constant 112 : index
      %get3A_319 = tpu.vector_load %arg6[%get3A_316, %get3A_317, %get3A_318] {strides = array<i32>} : memref<3x200x128xf32, #tpu.memory_space<vmem>>, vector<1x1x16xf32>,
      %get3A_320 = vector.shape_cast %get3A_319 : vector<1x1x16xf32> to vector<16xf32>
      %add3A_321 = arith.addf %scan3A_266, %get3A_320 : vector<16xf32>
      scf.yield %add3A_272, %add3A_279, %add3A_286, %add3A_293, %add3A_300, %add3A_307, %add3A_314, %add3A_321 : vector<16xf32>, vector<16xf32>, vector<16xf32>, vector<16xf32>, vector<16xf32>, vector<16xf32>, vector<16xf32>, vector<16xf32>
    }
    %scan3A_193 = arith.constant 128 : i32
    %dma_wait3A_194 = arith.constant 1 : i32
    %dma_wait3A_195 = arith.constant 128 : i32
    %dma_wait3A_196 = arith.constant 0 : i32
    %dma_wait3A_197 = tpu.memref_slice %arg6[%dma_wait3A_194, %dma_wait3A_195, %dma_wait3A_196] : memref<3x200x128xf32, #tpu.memory_space<vmem>> -> memref<1x72x128xf32, #tpu.memory_space<vmem>>
    %dma_wait3A_198 = tpu.memref_squeeze %dma_wait3A_197 : memref<1x72x128xf32, #tpu.memory_space<vmem>> -> memref<72x128xf32, #tpu.memory_space<vmem>>
    %dma_wait3A_199 = arith.constant 25528 : i32
    %dma_wait3A_200 = tpu.memref_slice %arg5[%dma_wait3A_199] : memref<25600xi32, #tpu.memory_space<vmem>> -> memref<72xi32, #tpu.memory_space<vmem>>
    %dma_wait3A_201 = arith.constant 0 : i32
    %dma_wait3A_202 = arith.constant 0 : i32
    %dma_wait3A_203 = tpu.memref_slice %arg3[%dma_wait3A_201, %dma_wait3A_202] : memref<1000000x128xf32, #tpu.memory_space<hbm>> -> memref<1000000x128xf32, #tpu.memory_space<hbm>>
    tpu.wait_indirect_dma semaphore(%arg11 : memref<!tpu.dma_semaphore, #tpu.memory_space<semaphore_mem>>) src(%dma_wait3A_203 : memref<1000000x128xf32, #tpu.memory_space<hbm>>) dst(%dma_wait3A_198 : memref<72x128xf32, #tpu.memory_space<vmem>>)
    %scan3A_204 = arith.constant 128 : i32
    %scan3A_205 = arith.constant 72 : i32
    %scan3A_206 = arith.addi %scan3A_204, %scan3A_205 : i32
    %scan3A_207 = arith.constant 1 : i32
    %scan3A_208:8 = scf.for %scan3A_258 = %scan3A_204 to %scan3A_206 step %scan3A_207 iter_args(%scan3A_259 = %scan3A_192#0, %scan3A_260 = %scan3A_192#1, %scan3A_261 = %scan3A_192#2, %scan3A_262 = %scan3A_192#3, %scan3A_263 = %scan3A_192#4, %scan3A_264 = %scan3A_192#5, %scan3A_265 = %scan3A_192#6, %scan3A_266 = %scan3A_192#7) -> (vector<16xf32>, vector<16xf32>, vector<16xf32>, vector<16xf32>, vector<16xf32>, vector<16xf32>, vector<16xf32>, vector<16xf32>)  : i32 {
      %get3A = arith.constant 1 : i32
      %get3A_267 = arith.index_cast %get3A : i32 to index
      %get3A_268 = arith.index_cast %scan3A_258 : i32 to index
      %get3A_269 = arith.constant 0 : index
      %get3A_270 = tpu.vector_load %arg6[%get3A_267, %get3A_268, %get3A_269] {strides = array<i32>} : memref<3x200x128xf32, #tpu.memory_space<vmem>>, vector<1x1x16xf32>,
      %get3A_271 = vector.shape_cast %get3A_270 : vector<1x1x16xf32> to vector<16xf32>
      %add3A_272 = arith.addf %scan3A_259, %get3A_271 : vector<16xf32>
      %get3A_273 = arith.constant 1 : i32
      %get3A_274 = arith.index_cast %get3A_273 : i32 to index
      %get3A_275 = arith.index_cast %scan3A_258 : i32 to index
      %get3A_276 = arith.constant 16 : index
      %get3A_277 = tpu.vector_load %arg6[%get3A_274, %get3A_275, %get3A_276] {strides = array<i32>} : memref<3x200x128xf32, #tpu.memory_space<vmem>>, vector<1x1x16xf32>,
      %get3A_278 = vector.shape_cast %get3A_277 : vector<1x1x16xf32> to vector<16xf32>
      %add3A_279 = arith.addf %scan3A_260, %get3A_278 : vector<16xf32>
      %get3A_280 = arith.constant 1 : i32
      %get3A_281 = arith.index_cast %get3A_280 : i32 to index
      %get3A_282 = arith.index_cast %scan3A_258 : i32 to index
      %get3A_283 = arith.constant 32 : index
      %get3A_284 = tpu.vector_load %arg6[%get3A_281, %get3A_282, %get3A_283] {strides = array<i32>} : memref<3x200x128xf32, #tpu.memory_space<vmem>>, vector<1x1x16xf32>,
      %get3A_285 = vector.shape_cast %get3A_284 : vector<1x1x16xf32> to vector<16xf32>
      %add3A_286 = arith.addf %scan3A_261, %get3A_285 : vector<16xf32>
      %get3A_287 = arith.constant 1 : i32
      %get3A_288 = arith.index_cast %get3A_287 : i32 to index
      %get3A_289 = arith.index_cast %scan3A_258 : i32 to index
      %get3A_290 = arith.constant 48 : index
      %get3A_291 = tpu.vector_load %arg6[%get3A_288, %get3A_289, %get3A_290] {strides = array<i32>} : memref<3x200x128xf32, #tpu.memory_space<vmem>>, vector<1x1x16xf32>,
      %get3A_292 = vector.shape_cast %get3A_291 : vector<1x1x16xf32> to vector<16xf32>
      %add3A_293 = arith.addf %scan3A_262, %get3A_292 : vector<16xf32>
      %get3A_294 = arith.constant 1 : i32
      %get3A_295 = arith.index_cast %get3A_294 : i32 to index
      %get3A_296 = arith.index_cast %scan3A_258 : i32 to index
      %get3A_297 = arith.constant 64 : index
      %get3A_298 = tpu.vector_load %arg6[%get3A_295, %get3A_296, %get3A_297] {strides = array<i32>} : memref<3x200x128xf32, #tpu.memory_space<vmem>>, vector<1x1x16xf32>,
      %get3A_299 = vector.shape_cast %get3A_298 : vector<1x1x16xf32> to vector<16xf32>
      %add3A_300 = arith.addf %scan3A_263, %get3A_299 : vector<16xf32>
      %get3A_301 = arith.constant 1 : i32
      %get3A_302 = arith.index_cast %get3A_301 : i32 to index
      %get3A_303 = arith.index_cast %scan3A_258 : i32 to index
      %get3A_304 = arith.constant 80 : index
      %get3A_305 = tpu.vector_load %arg6[%get3A_302, %get3A_303, %get3A_304] {strides = array<i32>} : memref<3x200x128xf32, #tpu.memory_space<vmem>>, vector<1x1x16xf32>,
      %get3A_306 = vector.shape_cast %get3A_305 : vector<1x1x16xf32> to vector<16xf32>
      %add3A_307 = arith.addf %scan3A_264, %get3A_306 : vector<16xf32>
      %get3A_308 = arith.constant 1 : i32
      %get3A_309 = arith.index_cast %get3A_308 : i32 to index
      %get3A_310 = arith.index_cast %scan3A_258 : i32 to index
      %get3A_311 = arith.constant 96 : index
      %get3A_312 = tpu.vector_load %arg6[%get3A_309, %get3A_310, %get3A_311] {strides = array<i32>} : memref<3x200x128xf32, #tpu.memory_space<vmem>>, vector<1x1x16xf32>,
      %get3A_313 = vector.shape_cast %get3A_312 : vector<1x1x16xf32> to vector<16xf32>
      %add3A_314 = arith.addf %scan3A_265, %get3A_313 : vector<16xf32>
      %get3A_315 = arith.constant 1 : i32
      %get3A_316 = arith.index_cast %get3A_315 : i32 to index
      %get3A_317 = arith.index_cast %scan3A_258 : i32 to index
      %get3A_318 = arith.constant 112 : index
      %get3A_319 = tpu.vector_load %arg6[%get3A_316, %get3A_317, %get3A_318] {strides = array<i32>} : memref<3x200x128xf32, #tpu.memory_space<vmem>>, vector<1x1x16xf32>,
      %get3A_320 = vector.shape_cast %get3A_319 : vector<1x1x16xf32> to vector<16xf32>
      %add3A_321 = arith.addf %scan3A_266, %get3A_320 : vector<16xf32>
      scf.yield %add3A_272, %add3A_279, %add3A_286, %add3A_293, %add3A_300, %add3A_307, %add3A_314, %add3A_321 : vector<16xf32>, vector<16xf32>, vector<16xf32>, vector<16xf32>, vector<16xf32>, vector<16xf32>, vector<16xf32>, vector<16xf32>
    }
    %scan3A_209 = arith.constant 72 : i32
    %swap3A_210 = arith.constant 127 : i32
    %swap3A_211 = arith.index_cast %swap3A_210 : i32 to index
    %swap3A_212 = arith.constant 0 : index
    %swap3A_213 = tpu.vector_load %arg7[%swap3A_211, %swap3A_212] {strides = array<i32>} : memref<128x128xf32, #tpu.memory_space<vmem>>, vector<1x16xf32>,
    %swap3A_214 = vector.shape_cast %swap3A_213 : vector<1x16xf32> to vector<16xf32>
    %swap3A_215 = vector.shape_cast %scan3A_208#0 : vector<16xf32> to vector<1x16xf32>
    tpu.vector_store %arg7[%swap3A_211, %swap3A_212], %swap3A_215 {strides = array<i32>} : memref<128x128xf32, #tpu.memory_space<vmem>>, vector<1x16xf32>,
    %swap3A_216 = arith.constant 127 : i32
    %swap3A_217 = arith.index_cast %swap3A_216 : i32 to index
    %swap3A_218 = arith.constant 16 : index
    %swap3A_219 = tpu.vector_load %arg7[%swap3A_217, %swap3A_218] {strides = array<i32>} : memref<128x128xf32, #tpu.memory_space<vmem>>, vector<1x16xf32>,
    %swap3A_220 = vector.shape_cast %swap3A_219 : vector<1x16xf32> to vector<16xf32>
    %swap3A_221 = vector.shape_cast %scan3A_208#1 : vector<16xf32> to vector<1x16xf32>
    tpu.vector_store %arg7[%swap3A_217, %swap3A_218], %swap3A_221 {strides = array<i32>} : memref<128x128xf32, #tpu.memory_space<vmem>>, vector<1x16xf32>,
    %swap3A_222 = arith.constant 127 : i32
    %swap3A_223 = arith.index_cast %swap3A_222 : i32 to index
    %swap3A_224 = arith.constant 32 : index
    %swap3A_225 = tpu.vector_load %arg7[%swap3A_223, %swap3A_224] {strides = array<i32>} : memref<128x128xf32, #tpu.memory_space<vmem>>, vector<1x16xf32>,
    %swap3A_226 = vector.shape_cast %swap3A_225 : vector<1x16xf32> to vector<16xf32>
    %swap3A_227 = vector.shape_cast %scan3A_208#2 : vector<16xf32> to vector<1x16xf32>
    tpu.vector_store %arg7[%swap3A_223, %swap3A_224], %swap3A_227 {strides = array<i32>} : memref<128x128xf32, #tpu.memory_space<vmem>>, vector<1x16xf32>,
    %swap3A_228 = arith.constant 127 : i32
    %swap3A_229 = arith.index_cast %swap3A_228 : i32 to index
    %swap3A_230 = arith.constant 48 : index
    %swap3A_231 = tpu.vector_load %arg7[%swap3A_229, %swap3A_230] {strides = array<i32>} : memref<128x128xf32, #tpu.memory_space<vmem>>, vector<1x16xf32>,
    %swap3A_232 = vector.shape_cast %swap3A_231 : vector<1x16xf32> to vector<16xf32>
    %swap3A_233 = vector.shape_cast %scan3A_208#3 : vector<16xf32> to vector<1x16xf32>
    tpu.vector_store %arg7[%swap3A_229, %swap3A_230], %swap3A_233 {strides = array<i32>} : memref<128x128xf32, #tpu.memory_space<vmem>>, vector<1x16xf32>,
    %swap3A_234 = arith.constant 127 : i32
    %swap3A_235 = arith.index_cast %swap3A_234 : i32 to index
    %swap3A_236 = arith.constant 64 : index
    %swap3A_237 = tpu.vector_load %arg7[%swap3A_235, %swap3A_236] {strides = array<i32>} : memref<128x128xf32, #tpu.memory_space<vmem>>, vector<1x16xf32>,
    %swap3A_238 = vector.shape_cast %swap3A_237 : vector<1x16xf32> to vector<16xf32>
    %swap3A_239 = vector.shape_cast %scan3A_208#4 : vector<16xf32> to vector<1x16xf32>
    tpu.vector_store %arg7[%swap3A_235, %swap3A_236], %swap3A_239 {strides = array<i32>} : memref<128x128xf32, #tpu.memory_space<vmem>>, vector<1x16xf32>,
    %swap3A_240 = arith.constant 127 : i32
    %swap3A_241 = arith.index_cast %swap3A_240 : i32 to index
    %swap3A_242 = arith.constant 80 : index
    %swap3A_243 = tpu.vector_load %arg7[%swap3A_241, %swap3A_242] {strides = array<i32>} : memref<128x128xf32, #tpu.memory_space<vmem>>, vector<1x16xf32>,
    %swap3A_244 = vector.shape_cast %swap3A_243 : vector<1x16xf32> to vector<16xf32>
    %swap3A_245 = vector.shape_cast %scan3A_208#5 : vector<16xf32> to vector<1x16xf32>
    tpu.vector_store %arg7[%swap3A_241, %swap3A_242], %swap3A_245 {strides = array<i32>} : memref<128x128xf32, #tpu.memory_space<vmem>>, vector<1x16xf32>,
    %swap3A_246 = arith.constant 127 : i32
    %swap3A_247 = arith.index_cast %swap3A_246 : i32 to index
    %swap3A_248 = arith.constant 96 : index
    %swap3A_249 = tpu.vector_load %arg7[%swap3A_247, %swap3A_248] {strides = array<i32>} : memref<128x128xf32, #tpu.memory_space<vmem>>, vector<1x16xf32>,
    %swap3A_250 = vector.shape_cast %swap3A_249 : vector<1x16xf32> to vector<16xf32>
    %swap3A_251 = vector.shape_cast %scan3A_208#6 : vector<16xf32> to vector<1x16xf32>
    tpu.vector_store %arg7[%swap3A_247, %swap3A_248], %swap3A_251 {strides = array<i32>} : memref<128x128xf32, #tpu.memory_space<vmem>>, vector<1x16xf32>,
    %swap3A_252 = arith.constant 127 : i32
    %swap3A_253 = arith.index_cast %swap3A_252 : i32 to index
    %swap3A_254 = arith.constant 112 : index
    %swap3A_255 = tpu.vector_load %arg7[%swap3A_253, %swap3A_254] {strides = array<i32>} : memref<128x128xf32, #tpu.memory_space<vmem>>, vector<1x16xf32>,
    %swap3A_256 = vector.shape_cast %swap3A_255 : vector<1x16xf32> to vector<16xf32>
    %swap3A_257 = vector.shape_cast %scan3A_208#7 : vector<16xf32> to vector<1x16xf32>
    tpu.vector_store %arg7[%swap3A_253, %swap3A_254], %swap3A_257 {strides = array<i32>} : memref<128x128xf32, #tpu.memory_space<vmem>>, vector<1x16xf32>,
    "tpu.region"() ({
      %run_scoped3A = tpu.sem_alloc : memref<!tpu.dma_semaphore, #tpu.memory_space<semaphore_mem>>
      %dma_start3A_258 = arith.constant 0 : i32
      %dma_start3A_259 = tpu.memref_slice %arg4[%mul3A_2, %dma_start3A_258] : memref<4096x128xf32, #tpu.memory_space<hbm>> -> memref<128x128xf32, #tpu.memory_space<hbm>>
      %dma_start3A_260 = arith.constant 0 : i32
      %dma_start3A_261 = tpu.memref_slice %arg4[%mul3A_2, %dma_start3A_260] : memref<4096x128xf32, #tpu.memory_space<hbm>> -> memref<128x128xf32, #tpu.memory_space<hbm>>
      tpu.enqueue_dma source(%arg7 : memref<128x128xf32, #tpu.memory_space<vmem>>) target(%dma_start3A_261 : memref<128x128xf32, #tpu.memory_space<hbm>>) target_semaphore(%run_scoped3A : memref<!tpu.dma_semaphore, #tpu.memory_space<semaphore_mem>>)
      %dma_wait3A_262 = arith.constant 0 : i32
      %dma_wait3A_263 = tpu.memref_slice %arg4[%mul3A_2, %dma_wait3A_262] : memref<4096x128xf32, #tpu.memory_space<hbm>> -> memref<128x128xf32, #tpu.memory_space<hbm>>
      %dma_wait3A_264 = arith.constant 0 : i32
      %dma_wait3A_265 = tpu.memref_slice %arg4[%mul3A_2, %dma_wait3A_264] : memref<4096x128xf32, #tpu.memory_space<hbm>> -> memref<128x128xf32, #tpu.memory_space<hbm>>
      tpu.wait_dma2 semaphore(%run_scoped3A : memref<!tpu.dma_semaphore, #tpu.memory_space<semaphore_mem>>) src(%arg7 : memref<128x128xf32, #tpu.memory_space<vmem>>) dst(%dma_wait3A_265 : memref<128x128xf32, #tpu.memory_space<hbm>>)
      tpu.yield
    }) : () -> ()
    return
  }
}

module attributes {stable_mosaic.version = 14 : i64} {
  func.func @_mm_body(%arg0: memref<4096x128xf32, #tpu.memory_space<vmem>>, %arg1: memref<128x5xf32, #tpu.memory_space<vmem>>, %arg2: memref<1x5xf32, #tpu.memory_space<vmem>>, %arg3: memref<4096x5xf32, #tpu.memory_space<vmem>>) attributes {dimension_semantics = [], scalar_prefetch = 0 : i64, scratch_operands = 0 : i64, tpu.core_type = #tpu.core_type<tc>} {
    %get3A = arith.constant 0 : index
    %get3A_0 = arith.constant 0 : index
    %get3A_1 = vector.load %arg0[%get3A, %get3A_0] : memref<4096x128xf32, #tpu.memory_space<vmem>>, vector<4096x128xf32>
    %get3A_2 = arith.constant 0 : index
    %get3A_3 = arith.constant 0 : index
    %get3A_4 = vector.load %arg1[%get3A_2, %get3A_3] : memref<128x5xf32, #tpu.memory_space<vmem>>, vector<128x5xf32>
    %dot_general3A = arith.constant dense<0.000000e+00> : vector<4096x5xf32>
    %dot_general3A_5 = tpu.matmul %get3A_1, %get3A_4, %dot_general3A {dimension_numbers = #tpu.dot_dimension_numbers<[1], [0], [0], [1], [0, 0, 1, 1], [], []>, transpose_lhs_hint = false} : vector<4096x128xf32>, vector<128x5xf32>, vector<4096x5xf32> -> vector<4096x5xf32>
    %get3A_6 = arith.constant 0 : index
    %get3A_7 = arith.constant 0 : index
    %get3A_8 = vector.load %arg2[%get3A_6, %get3A_7] : memref<1x5xf32, #tpu.memory_space<vmem>>, vector<1x5xf32>
    %mul3A = arith.constant 2.000000e+02 : f32
    %mul3A_9 = vector.broadcast %mul3A : f32 to vector<1x5xf32>
    %mul3A_10 = arith.mulf %mul3A_9, %get3A_8 : vector<1x5xf32>
    %add3A = vector.broadcast %mul3A_10 : vector<1x5xf32> to vector<4096x5xf32>
    %add3A_11 = arith.addf %dot_general3A_5, %add3A : vector<4096x5xf32>
    %swap3A = arith.constant 0 : index
    %swap3A_12 = arith.constant 0 : index
    %swap3A_13 = vector.load %arg3[%swap3A, %swap3A_12] : memref<4096x5xf32, #tpu.memory_space<vmem>>, vector<4096x5xf32>
    tpu.vector_store %arg3[%swap3A, %swap3A_12], %add3A_11 {strides = array<i32>} : memref<4096x5xf32, #tpu.memory_space<vmem>>, vector<4096x5xf32>,
    return
  }
}

</mosaic_0001>

<sc_bundles>
// kernel: kernel.4.cloned.1.call-start
scs
__scs_entry_jumppad:
0x0: {  	(pc) =	sbr.rel $0x88, $3  }
0x1: {  	(tag) =	ssettag $0x0;
	lr =	simm.s32 $0x1  }
0x2: {  	[smem:$0x3F9D] =	sst lr;
	_ =	strace $0xD0000000  }
0x3: {  	_ = 	snop  }
0x4: {  	_ = 	snop  }
0x5: {  	_ = 	snop  }
0x6: {  	_ = 	snop  }
0x7: {  	_ = 	snop  }
__scs_overlays_trampoline_lowered:
0x8: {  	[smem:$0x3FAC] =	sst s0  }
0x9: {  	[smem:$0x3FAD] =	sst s1  }
0xa: {  	[smem:$0x3FAE] =	sst s2  }
0xb: {  	[smem:$0x3FAF] =	sst s3  }
0xc: {  	[smem:$0x3FB0] =	sst s4  }
0xd: {  	[smem:$0x3FB1] =	sst s5  }
0xe: {  	[smem:$0x3FB2] =	sst s6  }
0xf: {  	[smem:$0x3FB3] =	sst s7  }
0x10: {  	[smem:$0x3FB4] =	sst s8  }
0x11: {  	[smem:$0x3FB5] =	sst s9;
	s0 =	simm.s32 @!p0 $0x0  }
0x12: {  	s1 =	sld [smem:$0x3F9B];
	s0 =	simm.s32 @p0 $0x1  }
0x13: {  	[smem:$0x3FB6] =	sst s0;
	s0 =	simm.s32 @!p1 $0x0  }
0x14: {  	s2 =	sld [smem:$0x3F9A];
	s0 =	simm.s32 @p1 $0x1  }
0x15: {  	[smem:$0x3FB7] =	sst s0;
	s0 =	simm.s32 @!p2 $0x0  }
0x16: {  	s3 =	sld [smem:$0x3FDB];
	s0 =	simm.s32 @p2 $0x1  }
0x17: {  	s4 =	simm.s32 $0x1BF5;
	[smem:$0x3FB9] =	sst s0  }
0x18: {  	s0 =	sld [smem:$0x3F9C];
	_ =	swait.ge [sflag:s4], $0x0  }
0x19: {  	s7 =	sld [smem:$0x3F9D]  }
0x1a: {  	s8 =	sadd.s32 $0xFFFFE003, lr  }
0x1b: {  	s9 =	sadd.s32 $0xFFFFFEF7, lr;
	s5 =	simm.s32 $0xFFFFFFFF;
	p2 =	slt.u32 s8, $0xFFFFF086  }
0x1c: {  	p1 =	slt.u32 s9, $0xF7A;
	s5 =	simm.s32 @!p2 $0x0  }
0x1d: {  	s5 =	simm.s32 @p1 $0x1;
	p0 =	seq.s32 s7, s2  }
0x1e: {  	s7 =	smul.u32 @!p0 $0xF7A, s2;
	p2 =	seq.s32 @!p0 s5, $0x0  }
0x1f: {  	s9 =	smul.u32 $0xF7A, s1;
	s8 =	simm.s32 @!p0 $0x1BF5;
	p2 =	por !p2, p0  }
0x20: {  	[sflag:s8] =	ssyncset.s32 @!p0 $0xFFFFF086;
	s6 =	sadd.s32 @!p0 s3, s7;
	s7 =	simm.s32 @!p0 $0x108  }
0x21: {  	s3 =	sadd.s32 s3, s9;
	s6 =	sadd.s32 @!p0 $0x88, s6;
	s7 =	simm.s32 @p2 $0x1082  }
0x22: {  	[simem:s7], [sflag:s8] =	dma.local @!p0 [hbm:s6], $0xF7A  }
0x23: {  	s9 =	sor.u32 $0xD0000000, s2;
	s6 =	simm.s32 $0x108;
	_ =	swait.ge @!p0 [sflag:s8], $0x0  }
0x24: {  	s3 =	sadd.s32 $0x88, s3;
	s6 =	simm.s32 @!p1 $0x1082;
	[sflag:s4] =	ssyncset.s32 $0xFFFFF086  }
0x25: {  	[simem:s6], [sflag:s4] =	dma.local [hbm:s3], $0xF7A  }
0x26: {  	[smem:$0x3F9D] =	sst s1;
	(tag) =	ssettag s2;
	_ =	strace s9  }
0x27: {  	s1 =	sld [smem:$0x3FAD]  }
0x28: {  	s2 =	sld [smem:$0x3FAE]  }
0x29: {  	s4 =	sld [smem:$0x3FB0]  }
0x2a: {  	p0 =	seq.s32 s5, $0x0;
	s5 =	sld [smem:$0x3FB1]  }
0x2b: {  	s6 =	sld [smem:$0x3FB2]  }
0x2c: {  	s7 =	sld [smem:$0x3FB3]  }
0x2d: {  	s3 =	simm.s32 $0x108;
	s8 =	sld [smem:$0x3FB4]  }
0x2e: {  	s3 =	simm.s32 @!p0 $0x1082;
	s9 =	sld [smem:$0x3FB5]  }
0x2f: {  	lr =	sadd.s32 s0, s3;
	s0 =	sld [smem:$0x3FAC]  }
0x30: {  	s3 =	sld [smem:$0x3FAF]  }
0x31: {  	[smem:$0x3FB8] =	sst s10  }
0x32: {  	s10 =	sld [smem:$0x3FB6];
	_ =	sdelay $0x3  }
0x33: {  	p0 =	seq.s32 s10, $0x1;
	s10 =	sld [smem:$0x3FB8];
	_ =	sdelay $0x3  }
0x34: {  	[smem:$0x3FB8] =	sst s10  }
0x35: {  	s10 =	sld [smem:$0x3FB7];
	_ =	sdelay $0x3  }
0x36: {  	p1 =	seq.s32 s10, $0x1;
	s10 =	sld [smem:$0x3FB8];
	_ =	sdelay $0x3  }
0x37: {  	[smem:$0x3FB8] =	sst s10  }
0x38: {  	s10 =	sld [smem:$0x3FB9]  }
0x39: {  	_ = 	snop;
	(pc) =	sbr.ind lr, $3  }
0x3a: {  	_ = 	snop  }
0x3b: {  	_ = 	snop  }
0x3c: {  	p2 =	seq.s32 s10, $0x1;
	s10 =	sld [smem:$0x3FB8]  }
0x3d: {  	_ =	shalt  }
0x3e: {  	_ =	shalt  }
0x3f: {  	_ =	shalt  }
0x40: {  	_ =	shalt  }
0x41: {  	_ =	shalt  }
0x42: {  	_ =	shalt  }
0x43: {  	_ =	shalt  }
0x44: {  	_ =	shalt  }
0x45: {  	_ =	shalt  }
0x46: {  	_ =	shalt  }
0x47: {  	_ =	shalt  }
0x48: {  	_ =	shalt  }
0x49: {  	_ =	shalt  }
0x4a: {  	_ =	shalt  }
0x4b: {  	_ =	shalt  }
0x4c: {  	_ =	shalt  }
0x4d: {  	_ =	shalt  }
0x4e: {  	_ =	shalt  }
0x4f: {  	_ =	shalt  }
0x50: {  	_ =	shalt  }
0x51: {  	_ =	shalt  }
0x52: {  	_ =	shalt  }
0x53: {  	_ =	shalt  }
0x54: {  	_ =	shalt  }
0x55: {  	_ =	shalt  }
0x56: {  	_ =	shalt  }
0x57: {  	_ =	shalt  }
0x58: {  	_ =	shalt  }
0x59: {  	_ =	shalt  }
0x5a: {  	_ =	shalt  }
0x5b: {  	_ =	shalt  }
0x5c: {  	_ =	shalt  }
0x5d: {  	_ =	shalt  }
0x5e: {  	_ =	shalt  }
0x5f: {  	_ =	shalt  }
0x60: {  	_ =	shalt  }
0x61: {  	_ =	shalt  }
0x62: {  	_ =	shalt  }
0x63: {  	_ =	shalt  }
0x64: {  	_ =	shalt  }
0x65: {  	_ =	shalt  }
0x66: {  	_ =	shalt  }
0x67: {  	_ =	shalt  }
0x68: {  	_ =	shalt  }
0x69: {  	_ =	shalt  }
0x6a: {  	_ =	shalt  }
0x6b: {  	_ =	shalt  }
0x6c: {  	_ =	shalt  }
0x6d: {  	_ =	shalt  }
0x6e: {  	_ =	shalt  }
0x6f: {  	_ =	shalt  }
0x70: {  	_ =	shalt  }
0x71: {  	_ =	shalt  }
0x72: {  	_ =	shalt  }
0x73: {  	_ =	shalt  }
0x74: {  	_ =	shalt  }
0x75: {  	_ =	shalt  }
0x76: {  	_ =	shalt  }
0x77: {  	_ =	shalt  }
0x78: {  	_ =	shalt  }
0x79: {  	_ =	shalt  }
0x7a: {  	_ =	shalt  }
0x7b: {  	_ =	shalt  }
0x7c: {  	_ =	shalt  }
0x7d: {  	_ =	shalt  }
0x7e: {  	_ =	shalt  }
0x7f: {  	_ =	shalt  }
0x80: {  	_ =	shalt  }
0x81: {  	_ =	shalt  }
0x82: {  	_ =	shalt  }
0x83: {  	_ =	shalt  }
0x84: {  	_ =	shalt  }
0x85: {  	_ =	shalt  }
0x86: {  	_ =	shalt  }
0x87: {  	_ =	shalt  }
.Lfunc_end0:
.L_simem_size_0:
called_computation_lowered:
.L_overlay_start_0:
0x88: {  	s2 =	sld [smem:$0x3FD9]  }
0x89: {  	s3 =	sld [smem:$0x3FFE];
	_ =	sdelay $0x1  }
0x8a: {  	s1 =	srdreg.scid  }
0x8b: {  	s0 =	sand.u32 $0x1, s1  }
0x8c: {  	s17 =	sshll.u32 s0, $0xA;
	s2 =	sadd.s32 s3, s2  }
0x8d: {  	s2 =	sadd.s32 s2, s17  }
0x8e: {  	[smem:$0x3FC4] =	sst s2  }
0x8f: {  	_ = 	snop  }
0x90: {  	s2 =	sld [smem:$0x3FC8];
	(tm) =	ssettm $0x1  }
0x91: {  	s18 =	sld [smem:$0x3FFB];
	_ =	sdelay $0x3  }
0x92: {  	_ =	strace s18  }
0x93: {  	s3 =	sld [smem:$0x3FFC];
	_ =	sdelay $0x3  }
0x94: {  	_ =	strace s3  }
0x95: {  	s3 =	sld [smem:$0x3FFD];
	_ =	sdelay $0x3  }
0x96: {  	_ =	strace s3  }
0x97: {  	_ =	strace $0x8FFFFFFF  }
0x98: {  	s19 =	sld [smem:$0x3FDB];
	_ =	sdelay $0x1  }
0x99: {  	s4 =	simm.s32 $_scs_section_size  }
0x9a: {  	s5 =	simm.s32 $_size__tile_overlayer_lowered;
	s6 =	simm.s32 $_tile_overlayer_lowered  }
0x9b: {  	s22 =	simm.s32 $0x1BFF;
	s21 =	sshll.u32 s6, $0x1;
	s3 =	sadd.s32 s4, s19  }
0x9c: {  	s7 =	simm.s32 $0x0;
	s20 =	sshll.u32 s5, $0x1;
	s5 =	sadd.s32 s21, s3  }
0x9d: {  	[timem:s7], [sflag:s22] =	dma.local [hbm:s5], s20  }
0x9e: {  	_ =	swait.ge [sflag:s22], s20  }
0x9f: {  	s4 =	ssub.s32 $0x0, s20;
	[sflag:s22] =	ssyncset.done $0x0  }
0xa0: {  	[sflag:s22] =	ssyncadd.s32 s4;
	_ =	sdelay $0x1  }
0xa1: {  	s23 =	simm.s32 $0x1B8B  }
0xa2: {  	_ =	swait.ge [sflag:s23], $0x1  }
0xa3: {  	[sflag:s23] =	ssyncset.done $0x0  }
0xa4: {  	s25 =	simm.s32 $0x1B8E;
	s24 =	sld [smem:$0x3FFE];
	[sflag:s23] =	ssyncadd.s32 $0xFFFFFFFF  }
0xa5: {  	s26 =	simm.s32 $execute0_lowered;
	[smem:$0x3FD2] =	sst s25  }
0xa6: {  	s5 =	sshll.u32 s26, $0x1;
	_ =	strace $0x80000046;
	[dreg:$0x1] =	wrdreg $0xFFFFFFFF  }
0xa7: {  	s28 =	simm.s32 $_size_execute0_lowered;
	s3 =	sadd.s32 s3, s5;
	[dreg:$0x0] =	wrdreg $0x0  }
0xa8: {  	s5 =	sshll.u32 s28, $0x1;
	[dreg:$0x2] =	wrdreg s3  }
0xa9: {  	[dreg:$0x3] =	wrdreg s5  }
0xaa: {  	[dreg:$0x4] =	wrdreg $0xC0  }
0xab: {  	_ =	task [dreg:s7], $0x5FFFF  }
0xac: {  	[dreg:$0x1] =	wrdreg $0xFFFFFFFF  }
0xad: {  	[dreg:$0x0] =	wrdreg $0x60  }
0xae: {  	[dreg:$0x2] =	wrdreg s24  }
0xaf: {  	[dreg:$0x3] =	wrdreg s2  }
0xb0: {  	[dreg:$0x4] =	wrdreg $0x9  }
0xb1: {  	_ =	task.clear_ibuf [dreg:s7], $0x5FFFF;
	_ =	strace $0x90000046  }
0xb2: {  	s29 =	simm.s32 $0x9;
	_ =	strace $0x80000048  }
0xb3: {  	_ =	swait.ge [sflag:s29], $0x1  }
0xb4: {  	[sflag:s29] =	ssyncadd.s32 $0xFFFFFFFF  }
0xb5: {  	_ =	strace $0x90000048  }
0xb6: {  	_ =	sfence  }
0xb7: {  	s30 =	sld [smem:$0x0];
	_ =	sdelay $0x2  }
0xb8: {  	s31 =	sshll.u32 s1, $0xD;
	s1 =	sshrl.u32 s1, $0x2  }
0xb9: {  	s3 =	sand.u32 $0x4000, s31;
	s1 =	sadd.s32 s1, s30  }
0xba: {  	s0 =	sor.u32 s3, s0;
	s1 =	sshll.u32 s1, $0x11  }
0xbb: {  	s0 =	sor.u32 s1, s0  }
0xbc: {  	s0 =	sadd.s32 $0x8F2B, s0  }
0xbd: {  	[sflag:s0] =	ssyncadd.remote.s32 $0x1  }
0xbe: {  	_ =	sfence.sel $0xFFFF  }
0xbf: {  	[dreg:$0x0] =	wrdreg $0xFFFFFFFF;
	(pc) =	sbr.abs _section_cstart, $3  }
0xc0: {  	[dreg:$0x1] =	wrdreg $0xFFFFFFFF  }
0xc1: {  	_ =	task.clear_ibuf [dreg:s7], $0x2FFFF;
	_ =	strace $0x9FFFFFFF  }
0xc2: {  	(tm) =	ssettm $0x7FFFFFFF  }
0xc3: {  	_ =	shalt  }
tec
execute0_lowered:
.L_overlay_start_1:
0x0: {  	(tag) =	ssettag $0x1  }
0x1: {  	s0 =	rddreg [dreg:$0x0];
	s1 =	srdreg.scid  }
0x2: {  	s3 =	stileid.u32;
	s2 =	rddreg [dreg:$0x1]  }
0x3: {  	s7 =	simm.s32 $0x7;
	s8 =	simm.s32 $0x80;
	s9 =	simm.s32 $0x6400  }
0x4: {  	s10 =	simm.s32 $0x48;
	s11 =	simm.s32 $0xA400;
	s13 =	simm.s32 $0xC800  }
0x5: {  	s14 =	simm.s32 $0x148;
	s15 =	simm.s32 $0x10800;
	s16 =	simm.s32 $0x190  }
0x6: {  	s17 =	simm.s32 $0x12C00;
	s18 =	simm.s32 $0x210;
	s19 =	simm.s32 $0x16C00  }
0x7: {  	s20 =	simm.s32 $0x1;
	s21 =	simm.s32 $0x2;
	s22 =	simm.s32 $0x3  }
0x8: {  	s23 =	simm.s32 $0x4;
	s24 =	simm.s32 $0x5;
	s25 =	simm.s32 $0x6  }
0x9: {  	s26 =	simm.s32 $0x19000;
	s1 =	sand.u32 $0x1, s1;
	s4 =	sshll.u32 s3, $0x1  }
0xa: {  	s28 =	simm.s32 $0x0;
	s3 =	simm.s32 $0x0;
	s4 =	sor.u32 s1, s4  }
0xb: {  	[smem:$0x7FF] =	sst s3;
	s1 =	ssub.s32 $0x2, s1;
	s5 =	smul.u32 $0xC80, s4  }
0xc: {  	_ =	strace $0x80000047;
	s4 =	sshll.u32 s4, $0xB;
	s6 =	sshrl.u32 s1, $0x1  }
0xd: {  	s1 =	ssub.s32 s1, s6;
	s5 =	sadd.s32 s5, s0;
	s0 =	sadd.s32 s4, s0  }
0xe: {  	s6 =	smax.u32 s1, $0x1;
	s4 =	sadd.s32 $0xA00, s5;
	s5 =	sadd.s32 $0x19A00, s0  }
.LBB2_1:
0xf: {  	[tilespmem:s3], [sflag:$0x7] =	stream.linear.gather [hbm4b:s4+s3], $0x6400, $0x38;
	[tilespmem:$0x1D000] =	vst v63  }
0x10: {  	_ =	swait.ge [sflag:s7], $0x6400  }
0x11: {  	[sflag:s7] =	ssyncset.done $0x0  }
0x12: {  	[sflag:s7] =	ssyncadd.s32 $0xFFFF9C00  }
0x13: {  	[tilespmem:s9], [sflag:$0x1] =	stream.indirect.gather [hbm4b:s2+s8], $0x80, s3, s8, $0xb8;
	[tilespmem:$0x1D000] =	vst v63  }
0x14: {  	_ = 	snop  }
0x15: {  	[tilespmem:s11], [sflag:$0x2] =	stream.indirect.gather [hbm4b:s2+s10], $0x80, s8, s10, $0xb8;
	[tilespmem:$0x1D000] =	vst v63  }
0x16: {  	s0 =	simm.s32 $0xC8  }
0x17: {  	[tilespmem:s13], [sflag:$0x3] =	stream.indirect.gather [hbm4b:s2+s8], $0x80, s0, s8, $0xb8;
	[tilespmem:$0x1D000] =	vst v63  }
0x18: {  	_ = 	snop  }
0x19: {  	[tilespmem:s15], [sflag:$0x4] =	stream.indirect.gather [hbm4b:s2+s10], $0x80, s14, s10, $0xb8;
	[tilespmem:$0x1D000] =	vst v63  }
0x1a: {  	_ = 	snop  }
0x1b: {  	[tilespmem:s17], [sflag:$0x5] =	stream.indirect.gather [hbm4b:s2+s8], $0x80, s16, s8, $0xb8;
	[tilespmem:$0x1D000] =	vst v63  }
0x1c: {  	s29 =	simm.s32 $0x0  }
0x1d: {  	[tilespmem:s19], [sflag:$0x6] =	stream.indirect.gather [hbm4b:s2+s10], $0x80, s18, s10, $0xb8;
	[tilespmem:$0x1D000] =	vst v63  }
.LBB2_2:
0x1e: {  	_ =	swait.ge [sflag:s20], $0x4000  }
0x1f: {  	[sflag:s20] =	ssyncset.done $0x0  }
0x20: {  	s0 =	simm.s32 $0x0;
	[sflag:s20] =	ssyncadd.s32 $0xFFFFC000  }
0x21: {  	v0 =	vld [tilespmem:s0+$0x6470]  }
0x22: {  	v2 =	vld [tilespmem:s0+$0x6400]  }
0x23: {  	v4 =	vld [tilespmem:s0+$0x6410]  }
0x24: {  	v5 =	vld [tilespmem:s0+$0x6420]  }
0x25: {  	v8 =	vld [tilespmem:s0+$0x6430]  }
0x26: {  	v3 =	vimm.f32 $0.0e+00;
	v9 =	vimm.f32 $0.0e+00;
	v6 =	vld [tilespmem:s0+$0x6440]  }
0x27: {  	v10 =	vimm.f32 $0.0e+00;
	v7 =	vimm.f32 $0.0e+00;
	v11 =	vld [tilespmem:s0+$0x6450];
	v1 =	vadd.f32 v0, v3  }
0x28: {  	s30 =	simm.s32 $0x80;
	s1 =	simm.s32 $0x400;
	v12 =	vld [tilespmem:s0+$0x6460];
	v0 =	vadd.f32 v2, v3;
	v2 =	vadd.f32 v4, v3;
	v4 =	vimm.f32 $0.0e+00  }
.LBB2_3:
0x29: {  	p0 =	sne.s32 s1, $0xFE00;
	v13 =	vld [tilespmem:s30+$0x6470];
	v3 =	vadd.f32 v5, v3  }
0x2a: {  	v14 =	vld [tilespmem:s30+$0x6400];
	v4 =	vadd.f32 v8, v4  }
0x2b: {  	v15 =	vld [tilespmem:s30+$0x6410];
	v9 =	vadd.f32 v6, v9  }
.Ltmp0:
0x2c: {  	v5 =	vld [tilespmem:s30+$0x6420];
	v10 =	vadd.f32 v11, v10;
	(pc) =	sbr.rel @p0 .LBB2_3-.Ltmp0, $4  }
0x2d: {  	v8 =	vld [tilespmem:s30+$0x6430];
	v7 =	vadd.f32 v12, v7  }
0x2e: {  	v6 =	vld [tilespmem:s30+$0x6440];
	v1 =	vadd.f32 v13, v1  }
0x2f: {  	v0 =	vadd.f32 v14, v0;
	v11 =	vld [tilespmem:s30+$0x6450]  }
0x30: {  	v2 =	vadd.f32 v15, v2;
	v12 =	vld [tilespmem:s30+$0x6460];
	s30 =	sshra.s32 s1, $0x2;
	s1 =	sadd.s32 $0x200, s1  }
0x31: {  	v13 =	vld [tilespmem:s30+$0x6470]  }
0x32: {  	v14 =	vld [tilespmem:s30+$0x6400]  }
0x33: {  	v15 =	vld [tilespmem:s30+$0x6410]  }
0x34: {  	v16 =	vld [tilespmem:s30+$0x6420];
	s0 =	smul.u32 $0x960, s29  }
0x35: {  	v17 =	vld [tilespmem:s30+$0x6430]  }
0x36: {  	v18 =	vld [tilespmem:s30+$0x6440];
	s31 =	sshra.s32 s0, $0x2  }
0x37: {  	v19 =	vld [tilespmem:s30+$0x6450];
	s0 =	sadd.s32 $0x258, s31  }
0x38: {  	v20 =	vld [tilespmem:s30+$0x6460];
	[tilespmem:s9], [sflag:$0x1] =	stream.indirect.gather [hbm4b:s2+s8], $0x80, s0, s8, $0xb8  }
0x39: {  	_ =	swait.ge [sflag:s21], $0x2400  }
0x3a: {  	[sflag:s21] =	ssyncset.done $0x0  }
0x3b: {  	s12 =	simm.s32 $0x0;
	[sflag:s21] =	ssyncadd.s32 $0xFFFFDC00  }
0x3c: {  	v3 =	vadd.f32 v5, v3;
	v4 =	vadd.f32 v8, v4;
	v21 =	vld [tilespmem:s12+$0xA470]  }
0x3d: {  	v8 =	vadd.f32 v6, v9;
	v9 =	vadd.f32 v11, v10;
	v10 =	vld [tilespmem:s12+$0xA400]  }
0x3e: {  	v11 =	vadd.f32 v12, v7;
	v12 =	vadd.f32 v13, v1;
	v13 =	vld [tilespmem:s12+$0xA410]  }
0x3f: {  	v14 =	vadd.f32 v14, v0;
	v15 =	vadd.f32 v15, v2;
	v6 =	vld [tilespmem:s12+$0xA420]  }
0x40: {  	v5 =	vadd.f32 v16, v3;
	v4 =	vadd.f32 v17, v4;
	v7 =	vld [tilespmem:s12+$0xA430]  }
0x41: {  	v3 =	vadd.f32 v18, v8;
	v2 =	vadd.f32 v19, v9;
	v8 =	vld [tilespmem:s12+$0xA440]  }
0x42: {  	v1 =	vadd.f32 v20, v11;
	v9 =	vld [tilespmem:s12+$0xA450];
	v0 =	vadd.f32 v21, v12  }
0x43: {  	s1 =	simm.s32 $0x80;
	s0 =	simm.s32 $0x400;
	v10 =	vadd.f32 v10, v14;
	v11 =	vadd.f32 v13, v15;
	v12 =	vld [tilespmem:s12+$0xA460]  }
.LBB2_5:
0x44: {  	p0 =	sne.s32 s0, $0x8E00;
	v13 =	vld [tilespmem:s1+$0xA470];
	v5 =	vadd.f32 v6, v5  }
0x45: {  	v14 =	vld [tilespmem:s1+$0xA400];
	v4 =	vadd.f32 v7, v4  }
0x46: {  	v15 =	vld [tilespmem:s1+$0xA410];
	v3 =	vadd.f32 v8, v3  }
.Ltmp1:
0x47: {  	v6 =	vld [tilespmem:s1+$0xA420];
	v2 =	vadd.f32 v9, v2;
	(pc) =	sbr.rel @p0 .LBB2_5-.Ltmp1, $4  }
0x48: {  	v7 =	vld [tilespmem:s1+$0xA430];
	v1 =	vadd.f32 v12, v1  }
0x49: {  	v8 =	vld [tilespmem:s1+$0xA440];
	v0 =	vadd.f32 v13, v0  }
0x4a: {  	v10 =	vadd.f32 v14, v10;
	v9 =	vld [tilespmem:s1+$0xA450]  }
0x4b: {  	v11 =	vadd.f32 v15, v11;
	v12 =	vld [tilespmem:s1+$0xA460];
	s1 =	sshra.s32 s0, $0x2;
	s0 =	sadd.s32 $0x200, s0  }
0x4c: {  	v13 =	vld [tilespmem:s1+$0xA470]  }
0x4d: {  	v14 =	vld [tilespmem:s1+$0xA400]  }
0x4e: {  	v15 =	vld [tilespmem:s1+$0xA410]  }
0x4f: {  	v16 =	vld [tilespmem:s1+$0xA420]  }
0x50: {  	v17 =	vld [tilespmem:s1+$0xA430]  }
0x51: {  	v18 =	vld [tilespmem:s1+$0xA440]  }
0x52: {  	v19 =	vld [tilespmem:s1+$0xA450];
	s0 =	sadd.s32 $0x2D8, s31;
	s12 =	smul.u32 $0x600, s29  }
0x53: {  	v20 =	vld [tilespmem:s1+$0xA460];
	v5 =	vadd.f32 v6, v5;
	[tilespmem:s11], [sflag:$0x2] =	stream.indirect.gather [hbm4b:s2+s10], $0x80, s0, s10, $0xb8;
	v6 =	vadd.f32 v14, v10  }
0x54: {  	v4 =	vadd.f32 v7, v4;
	s30 =	sshra.s32 s12, $0x2;
	v7 =	vadd.f32 v15, v11  }
0x55: {  	v3 =	vadd.f32 v8, v3;
	v5 =	vadd.f32 v16, v5;
	[tilespmem:s30+$0x19000] =	vst v6  }
0x56: {  	v2 =	vadd.f32 v9, v2;
	v4 =	vadd.f32 v17, v4;
	[tilespmem:s30+$0x19010] =	vst v7  }
0x57: {  	v3 =	vadd.f32 v18, v3;
	[tilespmem:s30+$0x19020] =	vst v5  }
0x58: {  	v1 =	vadd.f32 v12, v1;
	v2 =	vadd.f32 v19, v2;
	[tilespmem:s30+$0x19030] =	vst v4  }
0x59: {  	v0 =	vadd.f32 v13, v0;
	[tilespmem:s30+$0x19040] =	vst v3  }
0x5a: {  	v1 =	vadd.f32 v20, v1;
	[tilespmem:s30+$0x19050] =	vst v2  }
0x5b: {  	[tilespmem:s30+$0x19070] =	vst v0  }
0x5c: {  	[tilespmem:s30+$0x19060] =	vst v1  }
0x5d: {  	_ =	swait.ge [sflag:s22], $0x4000  }
0x5e: {  	[sflag:s22] =	ssyncset.done $0x0  }
0x5f: {  	s12 =	simm.s32 $0x0;
	[sflag:s22] =	ssyncadd.s32 $0xFFFFC000  }
0x60: {  	v0 =	vld [tilespmem:s12+$0xC870]  }
0x61: {  	v2 =	vld [tilespmem:s12+$0xC800]  }
0x62: {  	v4 =	vld [tilespmem:s12+$0xC810]  }
0x63: {  	v5 =	vld [tilespmem:s12+$0xC820]  }
0x64: {  	v8 =	vld [tilespmem:s12+$0xC830]  }
0x65: {  	v9 =	vimm.f32 $0.0e+00;
	v3 =	vimm.f32 $0.0e+00;
	v6 =	vld [tilespmem:s12+$0xC840]  }
0x66: {  	v10 =	vimm.f32 $0.0e+00;
	v7 =	vimm.f32 $0.0e+00;
	v11 =	vld [tilespmem:s12+$0xC850];
	v1 =	vadd.f32 v0, v3  }
0x67: {  	s1 =	simm.s32 $0x80;
	s0 =	simm.s32 $0x400;
	v12 =	vld [tilespmem:s12+$0xC860];
	v0 =	vadd.f32 v2, v3;
	v2 =	vadd.f32 v4, v3;
	v4 =	vimm.f32 $0.0e+00  }
.LBB2_7:
0x68: {  	p0 =	sne.s32 s0, $0xFE00;
	v13 =	vld [tilespmem:s1+$0xC870];
	v3 =	vadd.f32 v5, v3  }
0x69: {  	v14 =	vld [tilespmem:s1+$0xC800];
	v4 =	vadd.f32 v8, v4  }
0x6a: {  	v15 =	vld [tilespmem:s1+$0xC810];
	v9 =	vadd.f32 v6, v9  }
.Ltmp2:
0x6b: {  	v5 =	vld [tilespmem:s1+$0xC820];
	v10 =	vadd.f32 v11, v10;
	(pc) =	sbr.rel @p0 .LBB2_7-.Ltmp2, $4  }
0x6c: {  	v8 =	vld [tilespmem:s1+$0xC830];
	v7 =	vadd.f32 v12, v7  }
0x6d: {  	v6 =	vld [tilespmem:s1+$0xC840];
	v1 =	vadd.f32 v13, v1  }
0x6e: {  	v0 =	vadd.f32 v14, v0;
	v11 =	vld [tilespmem:s1+$0xC850]  }
0x6f: {  	v2 =	vadd.f32 v15, v2;
	v12 =	vld [tilespmem:s1+$0xC860];
	s1 =	sshra.s32 s0, $0x2;
	s0 =	sadd.s32 $0x200, s0  }
0x70: {  	v13 =	vld [tilespmem:s1+$0xC870]  }
0x71: {  	v14 =	vld [tilespmem:s1+$0xC800]  }
0x72: {  	v15 =	vld [tilespmem:s1+$0xC810]  }
0x73: {  	v16 =	vld [tilespmem:s1+$0xC820]  }
0x74: {  	v17 =	vld [tilespmem:s1+$0xC830]  }
0x75: {  	v18 =	vld [tilespmem:s1+$0xC840]  }
0x76: {  	v19 =	vld [tilespmem:s1+$0xC850];
	s0 =	sadd.s32 $0x320, s31  }
0x77: {  	v20 =	vld [tilespmem:s1+$0xC860];
	[tilespmem:s13], [sflag:$0x3] =	stream.indirect.gather [hbm4b:s2+s8], $0x80, s0, s8, $0xb8  }
0x78: {  	_ =	swait.ge [sflag:s23], $0x2400  }
0x79: {  	[sflag:s23] =	ssyncset.done $0x0  }
0x7a: {  	s12 =	simm.s32 $0x0;
	[sflag:s23] =	ssyncadd.s32 $0xFFFFDC00  }
0x7b: {  	v3 =	vadd.f32 v5, v3;
	v4 =	vadd.f32 v8, v4;
	v21 =	vld [tilespmem:s12+$0x10870]  }
0x7c: {  	v9 =	vadd.f32 v6, v9;
	v10 =	vadd.f32 v11, v10;
	v11 =	vld [tilespmem:s12+$0x10800]  }
0x7d: {  	v12 =	vadd.f32 v12, v7;
	v13 =	vadd.f32 v13, v1;
	v22 =	vld [tilespmem:s12+$0x10810]  }
0x7e: {  	v14 =	vadd.f32 v14, v0;
	v15 =	vadd.f32 v15, v2;
	v8 =	vld [tilespmem:s12+$0x10820]  }
0x7f: {  	v5 =	vadd.f32 v16, v3;
	v4 =	vadd.f32 v17, v4;
	v6 =	vld [tilespmem:s12+$0x10830]  }
0x80: {  	v3 =	vadd.f32 v18, v9;
	v2 =	vadd.f32 v19, v10;
	v7 =	vld [tilespmem:s12+$0x10840]  }
0x81: {  	v9 =	vld [tilespmem:s12+$0x10850];
	v1 =	vadd.f32 v20, v12;
	v0 =	vadd.f32 v21, v13  }
0x82: {  	s1 =	simm.s32 $0x80;
	s0 =	simm.s32 $0x400;
	v12 =	vld [tilespmem:s12+$0x10860];
	v11 =	vadd.f32 v11, v14;
	v10 =	vadd.f32 v22, v15  }
.LBB2_9:
0x83: {  	p0 =	sne.s32 s0, $0x8E00;
	v13 =	vld [tilespmem:s1+$0x10870];
	v5 =	vadd.f32 v8, v5  }
0x84: {  	v14 =	vld [tilespmem:s1+$0x10800];
	v4 =	vadd.f32 v6, v4  }
0x85: {  	v15 =	vld [tilespmem:s1+$0x10810];
	v3 =	vadd.f32 v7, v3  }
.Ltmp3:
0x86: {  	v8 =	vld [tilespmem:s1+$0x10820];
	v2 =	vadd.f32 v9, v2;
	(pc) =	sbr.rel @p0 .LBB2_9-.Ltmp3, $4  }
0x87: {  	v6 =	vld [tilespmem:s1+$0x10830];
	v1 =	vadd.f32 v12, v1  }
0x88: {  	v7 =	vld [tilespmem:s1+$0x10840];
	v0 =	vadd.f32 v13, v0  }
0x89: {  	v11 =	vadd.f32 v14, v11;
	v9 =	vld [tilespmem:s1+$0x10850]  }
0x8a: {  	v10 =	vadd.f32 v15, v10;
	v12 =	vld [tilespmem:s1+$0x10860];
	s1 =	sshra.s32 s0, $0x2;
	s0 =	sadd.s32 $0x200, s0  }
0x8b: {  	v13 =	vld [tilespmem:s1+$0x10870]  }
0x8c: {  	v14 =	vld [tilespmem:s1+$0x10800]  }
0x8d: {  	v15 =	vld [tilespmem:s1+$0x10810]  }
0x8e: {  	v16 =	vld [tilespmem:s1+$0x10820]  }
0x8f: {  	v17 =	vld [tilespmem:s1+$0x10830]  }
0x90: {  	v18 =	vld [tilespmem:s1+$0x10840]  }
0x91: {  	v19 =	vld [tilespmem:s1+$0x10850];
	v5 =	vadd.f32 v8, v5;
	s0 =	sadd.s32 $0x3A0, s31;
	v8 =	vadd.f32 v14, v11  }
0x92: {  	v4 =	vadd.f32 v6, v4;
	v11 =	vld [tilespmem:s1+$0x10860];
	v6 =	vadd.f32 v15, v10;
	[tilespmem:s15], [sflag:$0x4] =	stream.indirect.gather [hbm4b:s2+s10], $0x80, s0, s10, $0xb8  }
0x93: {  	v3 =	vadd.f32 v7, v3;
	v5 =	vadd.f32 v16, v5;
	[tilespmem:s30+$0x19080] =	vst v8  }
0x94: {  	v2 =	vadd.f32 v9, v2;
	v4 =	vadd.f32 v17, v4;
	[tilespmem:s30+$0x19090] =	vst v6  }
0x95: {  	v3 =	vadd.f32 v18, v3;
	[tilespmem:s30+$0x190A0] =	vst v5  }
0x96: {  	v1 =	vadd.f32 v12, v1;
	v2 =	vadd.f32 v19, v2;
	[tilespmem:s30+$0x190B0] =	vst v4  }
0x97: {  	v0 =	vadd.f32 v13, v0;
	[tilespmem:s30+$0x190C0] =	vst v3  }
0x98: {  	[tilespmem:s30+$0x190D0] =	vst v2;
	v1 =	vadd.f32 v11, v1  }
0x99: {  	[tilespmem:s30+$0x190F0] =	vst v0  }
0x9a: {  	[tilespmem:s30+$0x190E0] =	vst v1  }
0x9b: {  	_ =	swait.ge [sflag:s24], $0x4000  }
0x9c: {  	[sflag:s24] =	ssyncset.done $0x0  }
0x9d: {  	s12 =	simm.s32 $0x0;
	[sflag:s24] =	ssyncadd.s32 $0xFFFFC000  }
0x9e: {  	v0 =	vld [tilespmem:s12+$0x12C70]  }
0x9f: {  	v2 =	vld [tilespmem:s12+$0x12C00]  }
0xa0: {  	v4 =	vld [tilespmem:s12+$0x12C10]  }
0xa1: {  	v5 =	vld [tilespmem:s12+$0x12C20]  }
0xa2: {  	v8 =	vld [tilespmem:s12+$0x12C30]  }
0xa3: {  	v7 =	vimm.f32 $0.0e+00;
	v3 =	vimm.f32 $0.0e+00;
	v6 =	vld [tilespmem:s12+$0x12C40]  }
0xa4: {  	v9 =	vimm.f32 $0.0e+00;
	v10 =	vimm.f32 $0.0e+00;
	v11 =	vld [tilespmem:s12+$0x12C50];
	v1 =	vadd.f32 v0, v3  }
0xa5: {  	s31 =	simm.s32 $0x80;
	s0 =	simm.s32 $0x400;
	v12 =	vld [tilespmem:s12+$0x12C60];
	v0 =	vadd.f32 v2, v3;
	v2 =	vadd.f32 v4, v3;
	v4 =	vimm.f32 $0.0e+00  }
.LBB2_11:
0xa6: {  	p0 =	sne.s32 s0, $0xFE00;
	v13 =	vld [tilespmem:s31+$0x12C70];
	v3 =	vadd.f32 v5, v3  }
0xa7: {  	v14 =	vld [tilespmem:s31+$0x12C00];
	v4 =	vadd.f32 v8, v4  }
0xa8: {  	v15 =	vld [tilespmem:s31+$0x12C10];
	v9 =	vadd.f32 v6, v9  }
.Ltmp4:
0xa9: {  	v5 =	vld [tilespmem:s31+$0x12C20];
	v10 =	vadd.f32 v11, v10;
	(pc) =	sbr.rel @p0 .LBB2_11-.Ltmp4, $4  }
0xaa: {  	v8 =	vld [tilespmem:s31+$0x12C30];
	v7 =	vadd.f32 v12, v7  }
0xab: {  	v6 =	vld [tilespmem:s31+$0x12C40];
	v1 =	vadd.f32 v13, v1  }
0xac: {  	v0 =	vadd.f32 v14, v0;
	v11 =	vld [tilespmem:s31+$0x12C50]  }
0xad: {  	v2 =	vadd.f32 v15, v2;
	v12 =	vld [tilespmem:s31+$0x12C60];
	s31 =	sshra.s32 s0, $0x2;
	s0 =	sadd.s32 $0x200, s0  }
0xae: {  	v13 =	vld [tilespmem:s31+$0x12C70]  }
0xaf: {  	v14 =	vld [tilespmem:s31+$0x12C00]  }
0xb0: {  	v15 =	vld [tilespmem:s31+$0x12C10];
	s0 =	smul.u32 $0x3, s29  }
0xb1: {  	v16 =	vld [tilespmem:s31+$0x12C20]  }
0xb2: {  	v17 =	vld [tilespmem:s31+$0x12C30];
	s0 =	smin.u32 s0, $0x7A  }
0xb3: {  	v18 =	vld [tilespmem:s31+$0x12C40];
	s0 =	smul.u32 $0xC8, s0  }
0xb4: {  	v19 =	vld [tilespmem:s31+$0x12C50];
	p0 =	seq.s32 s29, $0x29  }
0xb5: {  	v20 =	vld [tilespmem:s31+$0x12C60];
	s1 =	simm.s32 @!p0 $0x12C00;
	s31 =	sadd.s32 $0x3E8, s0;
	s0 =	simm.s32 @!p0 $0x80  }
0xb6: {  	[tilespmem:s1], [sflag:$0x5] =	stream.indirect.gather @!p0 [hbm4b:s2+s0], $0x80, s31, s0, $0xb8;
	[tilespmem:$0x1D000] =	vst v63  }
0xb7: {  	_ =	swait.ge [sflag:s25], $0x2400  }
0xb8: {  	[sflag:s25] =	ssyncset.done $0x0  }
0xb9: {  	s12 =	simm.s32 $0x0;
	[sflag:s25] =	ssyncadd.s32 $0xFFFFDC00  }
0xba: {  	v3 =	vadd.f32 v5, v3;
	v4 =	vadd.f32 v8, v4;
	v8 =	vld [tilespmem:s12+$0x16C70]  }
0xbb: {  	v9 =	vadd.f32 v6, v9;
	v11 =	vadd.f32 v11, v10;
	v21 =	vld [tilespmem:s12+$0x16C00]  }
0xbc: {  	v12 =	vadd.f32 v12, v7;
	v13 =	vadd.f32 v13, v1;
	v22 =	vld [tilespmem:s12+$0x16C10]  }
0xbd: {  	v14 =	vadd.f32 v14, v0;
	v15 =	vadd.f32 v15, v2;
	v10 =	vld [tilespmem:s12+$0x16C20]  }
0xbe: {  	v5 =	vadd.f32 v16, v3;
	v4 =	vadd.f32 v17, v4;
	v6 =	vld [tilespmem:s12+$0x16C30]  }
0xbf: {  	v3 =	vadd.f32 v18, v9;
	v2 =	vadd.f32 v19, v11;
	v7 =	vld [tilespmem:s12+$0x16C40]  }
0xc0: {  	v1 =	vadd.f32 v20, v12;
	v0 =	vadd.f32 v8, v13;
	v8 =	vld [tilespmem:s12+$0x16C50]  }
0xc1: {  	s1 =	simm.s32 $0x80;
	s0 =	simm.s32 $0x400;
	v11 =	vld [tilespmem:s12+$0x16C60];
	v12 =	vadd.f32 v21, v14;
	v9 =	vadd.f32 v22, v15  }
.LBB2_13:
0xc2: {  	p1 =	sne.s32 s0, $0x8E00;
	v13 =	vld [tilespmem:s1+$0x16C70];
	v5 =	vadd.f32 v10, v5  }
0xc3: {  	v14 =	vld [tilespmem:s1+$0x16C00];
	v4 =	vadd.f32 v6, v4  }
0xc4: {  	v15 =	vld [tilespmem:s1+$0x16C10];
	v3 =	vadd.f32 v7, v3  }
.Ltmp5:
0xc5: {  	v10 =	vld [tilespmem:s1+$0x16C20];
	v2 =	vadd.f32 v8, v2;
	(pc) =	sbr.rel @p1 .LBB2_13-.Ltmp5, $4  }
0xc6: {  	v6 =	vld [tilespmem:s1+$0x16C30];
	v1 =	vadd.f32 v11, v1  }
0xc7: {  	v7 =	vld [tilespmem:s1+$0x16C40];
	v0 =	vadd.f32 v13, v0  }
0xc8: {  	v12 =	vadd.f32 v14, v12;
	v8 =	vld [tilespmem:s1+$0x16C50]  }
0xc9: {  	v9 =	vadd.f32 v15, v9;
	v11 =	vld [tilespmem:s1+$0x16C60];
	s1 =	sshra.s32 s0, $0x2;
	s0 =	sadd.s32 $0x200, s0  }
0xca: {  	v13 =	vld [tilespmem:s1+$0x16C70]  }
0xcb: {  	v14 =	vld [tilespmem:s1+$0x16C00]  }
0xcc: {  	v15 =	vld [tilespmem:s1+$0x16C10]  }
0xcd: {  	v16 =	vld [tilespmem:s1+$0x16C20]  }
0xce: {  	v17 =	vld [tilespmem:s1+$0x16C30]  }
0xcf: {  	v18 =	vld [tilespmem:s1+$0x16C40]  }
0xd0: {  	v19 =	vld [tilespmem:s1+$0x16C50]  }
0xd1: {  	v5 =	vadd.f32 v10, v5;
	v62 =	vld [tilespmem:s1+$0x16C60];
	s0 =	sadd.s32 @!p0 $0x80, s31;
	s1 =	simm.s32 @!p0 $0x48;
	s12 =	simm.s32 @!p0 $0x16C00;
	v61 =	vadd.f32 v14, v12  }
0xd2: {  	v4 =	vadd.f32 v6, v4;
	[tilespmem:s12], [sflag:$0x6] =	stream.indirect.gather @!p0 [hbm4b:s2+s1], $0x80, s0, s1, $0xb8;
	v63 =	vadd.f32 v15, v9;
	[tilespmem:$0x1D000] =	vst v63  }
0xd3: {  	v3 =	vadd.f32 v7, v3;
	v5 =	vadd.f32 v16, v5;
	[tilespmem:s30+$0x19100] =	vst v61  }
0xd4: {  	s29 =	sadd.s32 $0x1, s29;
	v2 =	vadd.f32 v8, v2;
	v4 =	vadd.f32 v17, v4;
	[tilespmem:s30+$0x19110] =	vst v63  }
0xd5: {  	p0 =	sne.s32 s29, $0x2A;
	v3 =	vadd.f32 v18, v3;
	[tilespmem:s30+$0x19120] =	vst v5  }
.Ltmp6:
0xd6: {  	v1 =	vadd.f32 v11, v1;
	v2 =	vadd.f32 v19, v2;
	[tilespmem:s30+$0x19130] =	vst v4;
	(pc) =	sbr.rel @p0 .LBB2_2-.Ltmp6, $4  }
0xd7: {  	v0 =	vadd.f32 v13, v0;
	[tilespmem:s30+$0x19140] =	vst v3  }
0xd8: {  	v1 =	vadd.f32 v62, v1;
	[tilespmem:s30+$0x19150] =	vst v2  }
0xd9: {  	[tilespmem:s30+$0x19170] =	vst v0  }
0xda: {  	[tilespmem:s30+$0x19160] =	vst v1  }
0xdb: {  	_ =	swait.ge [sflag:s20], $0x4000  }
0xdc: {  	[sflag:s20] =	ssyncset.done $0x0  }
0xdd: {  	s12 =	simm.s32 $0x0;
	[sflag:s20] =	ssyncadd.s32 $0xFFFFC000  }
0xde: {  	v0 =	vld [tilespmem:s12+$0x6470]  }
0xdf: {  	v2 =	vld [tilespmem:s12+$0x6400]  }
0xe0: {  	v4 =	vld [tilespmem:s12+$0x6410]  }
0xe1: {  	v5 =	vld [tilespmem:s12+$0x6420]  }
0xe2: {  	v8 =	vld [tilespmem:s12+$0x6430]  }
0xe3: {  	v3 =	vimm.f32 $0.0e+00;
	v9 =	vimm.f32 $0.0e+00;
	v6 =	vld [tilespmem:s12+$0x6440]  }
0xe4: {  	v10 =	vimm.f32 $0.0e+00;
	v7 =	vimm.f32 $0.0e+00;
	v11 =	vld [tilespmem:s12+$0x6450];
	v1 =	vadd.f32 v0, v3  }
0xe5: {  	s1 =	simm.s32 $0x80;
	s0 =	simm.s32 $0x400;
	v12 =	vld [tilespmem:s12+$0x6460];
	v0 =	vadd.f32 v2, v3;
	v2 =	vadd.f32 v4, v3;
	v4 =	vimm.f32 $0.0e+00  }
.LBB2_16:
0xe6: {  	p0 =	sne.s32 s0, $0xFE00;
	v13 =	vld [tilespmem:s1+$0x6470];
	v3 =	vadd.f32 v5, v3  }
0xe7: {  	v14 =	vld [tilespmem:s1+$0x6400];
	v4 =	vadd.f32 v8, v4  }
0xe8: {  	v15 =	vld [tilespmem:s1+$0x6410];
	v9 =	vadd.f32 v6, v9  }
.Ltmp7:
0xe9: {  	v5 =	vld [tilespmem:s1+$0x6420];
	v10 =	vadd.f32 v11, v10;
	(pc) =	sbr.rel @p0 .LBB2_16-.Ltmp7, $4  }
0xea: {  	v8 =	vld [tilespmem:s1+$0x6430];
	v7 =	vadd.f32 v12, v7  }
0xeb: {  	v6 =	vld [tilespmem:s1+$0x6440];
	v1 =	vadd.f32 v13, v1  }
0xec: {  	v0 =	vadd.f32 v14, v0;
	v11 =	vld [tilespmem:s1+$0x6450]  }
0xed: {  	v2 =	vadd.f32 v15, v2;
	v12 =	vld [tilespmem:s1+$0x6460];
	s1 =	sshra.s32 s0, $0x2;
	s0 =	sadd.s32 $0x200, s0  }
0xee: {  	v13 =	vld [tilespmem:s1+$0x6470]  }
0xef: {  	v14 =	vld [tilespmem:s1+$0x6400]  }
0xf0: {  	v15 =	vld [tilespmem:s1+$0x6410]  }
0xf1: {  	v16 =	vld [tilespmem:s1+$0x6420]  }
0xf2: {  	v17 =	vld [tilespmem:s1+$0x6430]  }
0xf3: {  	v18 =	vld [tilespmem:s1+$0x6440]  }
0xf4: {  	v19 =	vld [tilespmem:s1+$0x6450]  }
0xf5: {  	v20 =	vld [tilespmem:s1+$0x6460];
	_ =	swait.ge [sflag:s21], $0x2400  }
0xf6: {  	[sflag:s21] =	ssyncset.done $0x0  }
0xf7: {  	s31 =	simm.s32 $0x0;
	[sflag:s21] =	ssyncadd.s32 $0xFFFFDC00  }
0xf8: {  	v3 =	vadd.f32 v5, v3;
	v4 =	vadd.f32 v8, v4;
	v21 =	vld [tilespmem:s31+$0xA470]  }
0xf9: {  	v8 =	vadd.f32 v6, v9;
	v9 =	vadd.f32 v11, v10;
	v10 =	vld [tilespmem:s31+$0xA400]  }
0xfa: {  	v11 =	vadd.f32 v12, v7;
	v12 =	vadd.f32 v13, v1;
	v13 =	vld [tilespmem:s31+$0xA410]  }
0xfb: {  	v6 =	vld [tilespmem:s31+$0xA420];
	v14 =	vadd.f32 v14, v0;
	v15 =	vadd.f32 v15, v2  }
0xfc: {  	v7 =	vld [tilespmem:s31+$0xA430];
	v5 =	vadd.f32 v16, v3;
	v4 =	vadd.f32 v17, v4  }
0xfd: {  	v3 =	vadd.f32 v18, v8;
	v2 =	vadd.f32 v19, v9;
	v8 =	vld [tilespmem:s31+$0xA440]  }
0xfe: {  	v9 =	vld [tilespmem:s31+$0xA450];
	v1 =	vadd.f32 v20, v11;
	v0 =	vadd.f32 v21, v12  }
0xff: {  	s29 =	simm.s32 $0x80;
	s0 =	simm.s32 $0x400;
	v10 =	vadd.f32 v10, v14;
	v12 =	vld [tilespmem:s31+$0xA460];
	v11 =	vadd.f32 v13, v15  }
.LBB2_18:
0x100: {  	p0 =	sne.s32 s0, $0x8E00;
	v13 =	vld [tilespmem:s29+$0xA470];
	v5 =	vadd.f32 v6, v5  }
0x101: {  	v14 =	vld [tilespmem:s29+$0xA400];
	v4 =	vadd.f32 v7, v4  }
0x102: {  	v15 =	vld [tilespmem:s29+$0xA410];
	v3 =	vadd.f32 v8, v3  }
.Ltmp8:
0x103: {  	v6 =	vld [tilespmem:s29+$0xA420];
	v2 =	vadd.f32 v9, v2;
	(pc) =	sbr.rel @p0 .LBB2_18-.Ltmp8, $4  }
0x104: {  	v7 =	vld [tilespmem:s29+$0xA430];
	v1 =	vadd.f32 v12, v1  }
0x105: {  	v8 =	vld [tilespmem:s29+$0xA440];
	v0 =	vadd.f32 v13, v0  }
0x106: {  	v10 =	vadd.f32 v14, v10;
	v9 =	vld [tilespmem:s29+$0xA450]  }
0x107: {  	v11 =	vadd.f32 v15, v11;
	v12 =	vld [tilespmem:s29+$0xA460];
	s29 =	sshra.s32 s0, $0x2;
	s0 =	sadd.s32 $0x200, s0  }
0x108: {  	v14 =	vld [tilespmem:s29+$0xA400]  }
0x109: {  	v15 =	vld [tilespmem:s29+$0xA410]  }
0x10a: {  	v16 =	vld [tilespmem:s29+$0xA420]  }
0x10b: {  	v17 =	vld [tilespmem:s29+$0xA430]  }
0x10c: {  	v18 =	vld [tilespmem:s29+$0xA440]  }
0x10d: {  	v13 =	vld [tilespmem:s29+$0xA470];
	v5 =	vadd.f32 v6, v5;
	v6 =	vadd.f32 v14, v10  }
0x10e: {  	v4 =	vadd.f32 v7, v4;
	v10 =	vld [tilespmem:s29+$0xA450];
	v7 =	vadd.f32 v15, v11  }
0x10f: {  	v3 =	vadd.f32 v8, v3;
	v11 =	vld [tilespmem:s29+$0xA460];
	v5 =	vadd.f32 v16, v5;
	[tilespmem:$0x1CF00] =	vst v6  }
0x110: {  	v4 =	vadd.f32 v17, v4;
	[tilespmem:$0x1CF10] =	vst v7  }
0x111: {  	v2 =	vadd.f32 v9, v2;
	v3 =	vadd.f32 v18, v3;
	[tilespmem:$0x1CF20] =	vst v5  }
0x112: {  	v1 =	vadd.f32 v12, v1;
	v0 =	vadd.f32 v13, v0;
	[tilespmem:$0x1CF30] =	vst v4  }
0x113: {  	[tilespmem:$0x1CF40] =	vst v3;
	v2 =	vadd.f32 v10, v2  }
0x114: {  	[tilespmem:$0x1CF70] =	vst v0;
	v1 =	vadd.f32 v11, v1  }
0x115: {  	[tilespmem:$0x1CF50] =	vst v2  }
0x116: {  	[tilespmem:$0x1CF60] =	vst v1  }
0x117: {  	_ =	swait.ge [sflag:s22], $0x4000  }
0x118: {  	[sflag:s22] =	ssyncset.done $0x0  }
0x119: {  	s12 =	simm.s32 $0x0;
	[sflag:s22] =	ssyncadd.s32 $0xFFFFC000  }
0x11a: {  	v0 =	vld [tilespmem:s12+$0xC870]  }
0x11b: {  	v2 =	vld [tilespmem:s12+$0xC800]  }
0x11c: {  	v4 =	vld [tilespmem:s12+$0xC810]  }
0x11d: {  	v5 =	vld [tilespmem:s12+$0xC820]  }
0x11e: {  	v8 =	vld [tilespmem:s12+$0xC830]  }
0x11f: {  	v9 =	vimm.f32 $0.0e+00;
	v3 =	vimm.f32 $0.0e+00;
	v6 =	vld [tilespmem:s12+$0xC840]  }
0x120: {  	v7 =	vimm.f32 $0.0e+00;
	v10 =	vimm.f32 $0.0e+00;
	v11 =	vld [tilespmem:s12+$0xC850];
	v1 =	vadd.f32 v0, v3  }
0x121: {  	s1 =	simm.s32 $0x80;
	s0 =	simm.s32 $0x400;
	v12 =	vld [tilespmem:s12+$0xC860];
	v0 =	vadd.f32 v2, v3;
	v2 =	vadd.f32 v4, v3;
	v4 =	vimm.f32 $0.0e+00  }
.LBB2_20:
0x122: {  	p0 =	sne.s32 s0, $0xFE00;
	v13 =	vld [tilespmem:s1+$0xC870];
	v3 =	vadd.f32 v5, v3  }
0x123: {  	v14 =	vld [tilespmem:s1+$0xC800];
	v4 =	vadd.f32 v8, v4  }
0x124: {  	v15 =	vld [tilespmem:s1+$0xC810];
	v9 =	vadd.f32 v6, v9  }
.Ltmp9:
0x125: {  	v5 =	vld [tilespmem:s1+$0xC820];
	v10 =	vadd.f32 v11, v10;
	(pc) =	sbr.rel @p0 .LBB2_20-.Ltmp9, $4  }
0x126: {  	v8 =	vld [tilespmem:s1+$0xC830];
	v7 =	vadd.f32 v12, v7  }
0x127: {  	v6 =	vld [tilespmem:s1+$0xC840];
	v1 =	vadd.f32 v13, v1  }
0x128: {  	v0 =	vadd.f32 v14, v0;
	v11 =	vld [tilespmem:s1+$0xC850]  }
0x129: {  	v2 =	vadd.f32 v15, v2;
	v12 =	vld [tilespmem:s1+$0xC860];
	s1 =	sshra.s32 s0, $0x2;
	s0 =	sadd.s32 $0x200, s0  }
0x12a: {  	v13 =	vld [tilespmem:s1+$0xC870]  }
0x12b: {  	v14 =	vld [tilespmem:s1+$0xC800]  }
0x12c: {  	v15 =	vld [tilespmem:s1+$0xC810]  }
0x12d: {  	v16 =	vld [tilespmem:s1+$0xC820]  }
0x12e: {  	v17 =	vld [tilespmem:s1+$0xC830]  }
0x12f: {  	v18 =	vld [tilespmem:s1+$0xC840]  }
0x130: {  	v19 =	vld [tilespmem:s1+$0xC850]  }
0x131: {  	v20 =	vld [tilespmem:s1+$0xC860];
	_ =	swait.ge [sflag:s23], $0x2400  }
0x132: {  	[sflag:s23] =	ssyncset.done $0x0  }
0x133: {  	s31 =	simm.s32 $0x0;
	[sflag:s23] =	ssyncadd.s32 $0xFFFFDC00  }
0x134: {  	v3 =	vadd.f32 v5, v3;
	v4 =	vadd.f32 v8, v4;
	v21 =	vld [tilespmem:s31+$0x10870]  }
0x135: {  	v8 =	vadd.f32 v6, v9;
	v9 =	vadd.f32 v11, v10;
	v10 =	vld [tilespmem:s31+$0x10800]  }
0x136: {  	v11 =	vadd.f32 v12, v7;
	v12 =	vadd.f32 v13, v1;
	v13 =	vld [tilespmem:s31+$0x10810]  }
0x137: {  	v6 =	vld [tilespmem:s31+$0x10820];
	v14 =	vadd.f32 v14, v0;
	v15 =	vadd.f32 v15, v2  }
0x138: {  	v7 =	vld [tilespmem:s31+$0x10830];
	v5 =	vadd.f32 v16, v3;
	v4 =	vadd.f32 v17, v4  }
0x139: {  	v3 =	vadd.f32 v18, v8;
	v2 =	vadd.f32 v19, v9;
	v8 =	vld [tilespmem:s31+$0x10840]  }
0x13a: {  	v9 =	vld [tilespmem:s31+$0x10850];
	v1 =	vadd.f32 v20, v11;
	v0 =	vadd.f32 v21, v12  }
0x13b: {  	s29 =	simm.s32 $0x80;
	s0 =	simm.s32 $0x400;
	v10 =	vadd.f32 v10, v14;
	v12 =	vld [tilespmem:s31+$0x10860];
	v11 =	vadd.f32 v13, v15  }
.LBB2_22:
0x13c: {  	p0 =	sne.s32 s0, $0x8E00;
	v13 =	vld [tilespmem:s29+$0x10870];
	v5 =	vadd.f32 v6, v5  }
0x13d: {  	v14 =	vld [tilespmem:s29+$0x10800];
	v4 =	vadd.f32 v7, v4  }
0x13e: {  	v15 =	vld [tilespmem:s29+$0x10810];
	v3 =	vadd.f32 v8, v3  }
.Ltmp10:
0x13f: {  	v6 =	vld [tilespmem:s29+$0x10820];
	v2 =	vadd.f32 v9, v2;
	(pc) =	sbr.rel @p0 .LBB2_22-.Ltmp10, $4  }
0x140: {  	v7 =	vld [tilespmem:s29+$0x10830];
	v1 =	vadd.f32 v12, v1  }
0x141: {  	v8 =	vld [tilespmem:s29+$0x10840];
	v0 =	vadd.f32 v13, v0  }
0x142: {  	v10 =	vadd.f32 v14, v10;
	v9 =	vld [tilespmem:s29+$0x10850]  }
0x143: {  	v11 =	vadd.f32 v15, v11;
	v12 =	vld [tilespmem:s29+$0x10860];
	s29 =	sshra.s32 s0, $0x2;
	s0 =	sadd.s32 $0x200, s0  }
0x144: {  	v14 =	vld [tilespmem:s29+$0x10800]  }
0x145: {  	v15 =	vld [tilespmem:s29+$0x10810]  }
0x146: {  	v16 =	vld [tilespmem:s29+$0x10820]  }
0x147: {  	v17 =	vld [tilespmem:s29+$0x10830]  }
0x148: {  	v18 =	vld [tilespmem:s29+$0x10840]  }
0x149: {  	v5 =	vadd.f32 v6, v5;
	v61 =	vld [tilespmem:s29+$0x10850];
	v60 =	vadd.f32 v14, v10  }
0x14a: {  	v13 =	vld [tilespmem:s29+$0x10870];
	v4 =	vadd.f32 v7, v4;
	v62 =	vadd.f32 v15, v11  }
0x14b: {  	v63 =	vld [tilespmem:s29+$0x10860];
	v3 =	vadd.f32 v8, v3;
	v5 =	vadd.f32 v16, v5;
	[tilespmem:$0x1CF80] =	vst v60  }
0x14c: {  	v2 =	vadd.f32 v9, v2;
	v4 =	vadd.f32 v17, v4;
	[tilespmem:$0x1CF90] =	vst v62  }
0x14d: {  	v3 =	vadd.f32 v18, v3;
	[tilespmem:$0x1CFA0] =	vst v5  }
0x14e: {  	v1 =	vadd.f32 v12, v1;
	v2 =	vadd.f32 v61, v2;
	[tilespmem:$0x1CFB0] =	vst v4  }
0x14f: {  	v0 =	vadd.f32 v13, v0;
	[tilespmem:$0x1CFC0] =	vst v3  }
0x150: {  	s28 =	sadd.s32 $0x1, s28;
	v1 =	vadd.f32 v63, v1;
	[tilespmem:$0x1CFD0] =	vst v2  }
0x151: {  	p0 =	sne.s32 s28, s6;
	[tilespmem:$0x1CFF0] =	vst v0  }
.Ltmp11:
0x152: {  	[tilespmem:$0x1CFE0] =	vst v1;
	(pc) =	sbr.rel @p0 .LBB2_1-.Ltmp11, $4  }
0x153: {  	[hbm4b:s5+s3] =	stream.linear.scatter [tilespmem:s26], [sflag:$0x7], $0x4000, $0x38;
	[tilespmem:$0x1D000] =	vst v63  }
0x154: {  	_ =	swait.ge [sflag:s7], $0x4000  }
0x155: {  	[sflag:s7] =	ssyncset.done $0x0  }
0x156: {  	[sflag:s7] =	ssyncadd.s32 $0xFFFFC000  }
0x157: {  	_ =	sfence.sel $0x180000  }
0x158: {  	[bflag:$0x0] =	sbarrier.arrive $0xFFFF  }
0x159: {  	_ =	strace $0x90000047  }
0x15a: {  	s0 =	stileid.u32;
	[bflag:$0x2] =	sbarrier.arrive $0xFFFF  }
0x15b: {  	p0 =	sne.s32 s0, $0x0;
	s0 =	rddreg [dreg:$0x2]  }
0x15c: {  	s0 =	sadd.s32 @!p0 $0x100000, s0  }
0x15d: {  	[sflag:s0] =	ssyncadd.tile.s32 @!p0 $0x1;
	_ =	shalt  }
.Lfunc_end2:
_tile_overlayer_lowered:
.L_overlay_start_2:
0x15e: {  	(tag) =	ssettag $0x2  }
0x15f: {  	s0 =	rddreg [dreg:$0x0];
	s2 =	stileid.u32  }
0x160: {  	s1 =	rddreg [dreg:$0x1];
	p0 =	sne.s32 s2, $0x0  }
0x161: {  	s3 =	rddreg [dreg:$0x2];
	[bflag:$0x3] =	sbarrier.arrive $0xFFFF;
	s2 =	simm.s32 @!p0 $0x1C07  }
0x162: {  	[timem:s3], [sflag:s2] =	dma.local @!p0 [hbm:s0], s1  }
0x163: {  	s0 =	simm.s32 @!p0 $0x7  }
0x164: {  	_ =	swait.ge @!p0 [sflag:s0], s1  }
0x165: {  	s1 =	ssub.s32 @!p0 $0x0, s1;
	[sflag:s0] =	ssyncset.done @!p0 $0x0  }
0x166: {  	[sflag:s0] =	ssyncadd.s32 @!p0 s1  }
0x167: {  	[bflag:$0x3] =	sbarrier.arrive $0xFFFF  }
0x168: {  	_ =	shalt  }

</sc_bundles>
